<compile_context>
chip_gen: v7x
topology: tpu7x:2x2x1
jax: 0.10.2.dev20260603
libtpu: 0.0.44.dev20260713+nightly
codegen_flags: <defaults>
</compile_context>

<pallas_src>
import functools

import jax
import jax.numpy as jnp
from jax import lax
from jax.experimental import pallas as pl
from jax.experimental.pallas import tpu as pltpu
from jax.experimental.pallas import tpu_sc as plsc

H = 64
VPAD = 64


def _proj_body(table_ref, w_ref, b_ref, out_ref):
    out_ref[...] = (
        lax.dot_general(
            table_ref[...], w_ref[...],
            (((1,), (1,)), ((), ())),
            preferred_element_type=jnp.float32,
        )
        + b_ref[...]
    )


@functools.partial(jax.jit, static_argnums=(2, 3))
def _gather_call(proj, ids, b_per_w, chunk):
    mesh = plsc.VectorSubcoreMesh(core_axis_name="c", subcore_axis_name="s")
    num_chunks = b_per_w // chunk
    B = ids.shape[0]

    @functools.partial(
        pl.kernel,
        mesh=mesh,
        out_type=jax.ShapeDtypeStruct((B, H), jnp.float32),
        scratch_types=[
            pltpu.VMEM((b_per_w,), jnp.int32),
            pltpu.VMEM((chunk, H), jnp.float32),
            pltpu.VMEM((chunk, H), jnp.float32),
            pltpu.VMEM_SHARED((VPAD, H), jnp.float32),
            pltpu.SemaphoreType.DMA,
            pltpu.SemaphoreType.DMA,
            pltpu.SemaphoreType.DMA,
            pltpu.SemaphoreType.DMA,
        ],
        compiler_params=pltpu.CompilerParams(use_tc_tiling_on_sc=False),
    )
    def k(proj_hbm, idx_hbm, out_hbm, idx_all, rows0, rows1, proj_sp, sg0, sg1, ss0, ss1):
        wid = lax.axis_index("s") * 2 + lax.axis_index("c")
        base = wid * b_per_w
        rows = (rows0, rows1)
        sg = (sg0, sg1)
        ss = (ss0, ss1)

        @pl.when(lax.axis_index("s") == 0)
        def _():
            pltpu.sync_copy(proj_hbm, proj_sp)

        pltpu.sync_copy(idx_hbm.at[pl.ds(base, b_per_w)], idx_all)
        plsc.subcore_barrier()

        def start_gather(g, b):
            return pltpu.async_copy(
                proj_sp.at[idx_all.at[pl.ds(g * chunk, chunk)]], rows[b], sg[b]
            )

        def start_store(g, b):
            return pltpu.async_copy(
                rows[b], out_hbm.at[pl.ds(base + g * chunk, chunk)], ss[b]
            )

        gathers = {0: start_gather(0, 0)}
        stores = {}
        for g in range(num_chunks):
            b = g & 1
            gathers[g].wait()
            if g + 1 < num_chunks:
                if g >= 1:
                    stores[g - 1].wait()
                gathers[g + 1] = start_gather(g + 1, b ^ 1)
            stores[g] = start_store(g, b)
        stores[num_chunks - 1].wait()
        if num_chunks >= 2:
            stores[num_chunks - 2].wait()

    return k(proj, ids)


def _onehot_body(ids_ref, proj_ref, o_ref):
    nb, L_, H_ = o_ref.shape
    j = nb * L_
    ids = ids_ref[...]
    oht = jnp.where(
        jnp.broadcast_to(ids[None, :], (VPAD, j))
        == lax.broadcasted_iota(jnp.int32, (VPAD, j), 0),
        1.0,
        0.0,
    )
    y = lax.dot_general(
        oht, proj_ref[...], (((0,), (0,)), ((), ())),
        preferred_element_type=jnp.float32,
    )
    o_ref[...] = y.reshape(nb, L_, H_)


@jax.jit
def kernel(week_ids, table, W, b):
    Bseq, L = week_ids.shape
    ids = week_ids.reshape(-1).astype(jnp.int32)

    table_pad = jnp.zeros((VPAD, H), jnp.float32).at[: table.shape[0]].set(table)
    proj = pl.pallas_call(
        _proj_body,
        out_shape=jax.ShapeDtypeStruct((VPAD, H), jnp.float32),
    )(table_pad, W, b.reshape(1, H))

    nb = 512
    BS = 4096
    nsc = BS // nb
    sc_lin = _gather_call(proj, ids[: BS * L], BS * L // 32, 640)
    sc_half = sc_lin.reshape(BS, L, H)

    tc_out = pl.pallas_call(
        _onehot_body,
        grid=(Bseq // nb - nsc,),
        in_specs=[
            pl.BlockSpec((nb * L,), lambda g: (g + nsc,)),
            pl.BlockSpec((VPAD, H), lambda g: (0, 0)),
        ],
        out_specs=pl.BlockSpec((nb, L, H), lambda g: (g + nsc, 0, 0)),
        out_shape=jax.ShapeDtypeStruct((Bseq, L, H), jnp.float32),
    )(ids, proj)
    return lax.dynamic_update_slice(tc_out, sc_half, (0, 0, 0))

# --- scband reference (transcript-rebuilt; emitter-appended) ---
"""Pipeline reference for scband-time-aware-embedding-40192303956476 (READ-ONLY COPY).

The authoritative reference and input builder live on the scoring server;
editing this copy changes nothing except your own understanding.
"""

import jax, jax.numpy as jnp
import numpy as np


def setup_inputs(seed: int = 0) -> dict:
    key = jax.random.key(seed)
    k1, k2, k3, k4 = jax.random.split(key, 4)
    num_weeks = 52
    hidden_dim = 64
    week_ids = jax.random.randint(k1, (16384, 50), 0, num_weeks + 1, dtype=jnp.int64)
    table = jax.random.normal(k2, (num_weeks + 1, hidden_dim), dtype=jnp.float32)
    bound = 1.0 / np.sqrt(hidden_dim)
    W = jax.random.uniform(k3, (hidden_dim, hidden_dim), dtype=jnp.float32, minval=-bound, maxval=bound)
    b = jax.random.uniform(k4, (hidden_dim,), dtype=jnp.float32, minval=-bound, maxval=bound)
    return {"week_ids": week_ids, "table": table, "W": W, "b": b}


def reference(week_ids, table, W, b):
    # nn.Embedding lookup (gather rows)
    week_embedded = jnp.take(table, week_ids, axis=0)  # [B, L, H]
    # nn.Linear: x @ W.T + b
    out = jnp.einsum('blh,oh->blo', week_embedded, W) + b
    return out

if __name__ == "__main__":
    import jax
    _d = setup_inputs()
    print(jax.jit(kernel)(*tuple(_d.values())))

</pallas_src>

<mosaic_0001>
#map = affine_map<(d0, d1) -> (0, 0)>
#map1 = affine_map<(d0, d1) -> (0)>
module attributes {stable_mosaic.version = 14 : i64} {
  func.func @k(%arg0: i32, %arg1: i32, %arg2: memref<64x64xf32, #tpu.memory_space<hbm>>, %arg3: memref<204800xi32, #tpu.memory_space<hbm>>, %arg4: memref<204800x64xf32, #tpu.memory_space<hbm>>, %arg5: memref<6400xi32, #tpu.memory_space<vmem>>, %arg6: memref<640x64xf32, #tpu.memory_space<vmem>>, %arg7: memref<640x64xf32, #tpu.memory_space<vmem>>, %arg8: memref<64x64xf32, #tpu.memory_space<vmem_shared>>, %arg9: memref<!tpu.dma_semaphore, #tpu.memory_space<semaphore_mem>>, %arg10: memref<!tpu.dma_semaphore, #tpu.memory_space<semaphore_mem>>, %arg11: memref<!tpu.dma_semaphore, #tpu.memory_space<semaphore_mem>>, %arg12: memref<!tpu.dma_semaphore, #tpu.memory_space<semaphore_mem>>) attributes {dimension_semantics = [#tpu.dimension_semantics<core_parallel>, #tpu.dimension_semantics<subcore_parallel>], iteration_bounds = array<i64: 2, 16>, scalar_prefetch = 0 : i64, scratch_operands = 8 : i64, tpu.core_type = #tpu.core_type<sc_vector_subcore>, window_params = [{transform_indices = #map}, {transform_indices = #map1}, {transform_indices = #map}]} {
    %mul3A = arith.constant 2 : i32
    %mul3A_0 = arith.muli %arg1, %mul3A : i32
    %add3A = arith.addi %mul3A_0, %arg0 : i32
    %mul3A_1 = arith.constant 6400 : i32
    %mul3A_2 = arith.muli %add3A, %mul3A_1 : i32
    %eq3A = arith.constant 0 : i32
    %eq3A_3 = arith.cmpi eq, %arg1, %eq3A : i32
    %convert_element_type3A = arith.extui %eq3A_3 : i1 to i32
    %cond3A = arith.constant 0 : i32
    %cond3A_4 = arith.cmpi ne, %convert_element_type3A, %cond3A : i32
    scf.if %cond3A_4 {
      "tpu.region"() ({
        %run_scoped3A = tpu.sem_alloc : memref<!tpu.dma_semaphore, #tpu.memory_space<semaphore_mem>>
        tpu.enqueue_dma source(%arg2 : memref<64x64xf32, #tpu.memory_space<hbm>>) target(%arg8 : memref<64x64xf32, #tpu.memory_space<vmem_shared>>) target_semaphore(%run_scoped3A : memref<!tpu.dma_semaphore, #tpu.memory_space<semaphore_mem>>)
        tpu.wait_dma2 semaphore(%run_scoped3A : memref<!tpu.dma_semaphore, #tpu.memory_space<semaphore_mem>>) src(%arg2 : memref<64x64xf32, #tpu.memory_space<hbm>>) dst(%arg8 : memref<64x64xf32, #tpu.memory_space<vmem_shared>>)
        tpu.yield
      }) : () -> ()
    } else {
    }
    "tpu.region"() ({
      %run_scoped3A = tpu.sem_alloc : memref<!tpu.dma_semaphore, #tpu.memory_space<semaphore_mem>>
      %dma_start3A_203 = tpu.memref_slice %arg3[%mul3A_2] : memref<204800xi32, #tpu.memory_space<hbm>> -> memref<6400xi32, #tpu.memory_space<hbm>>
      %dma_start3A_204 = tpu.memref_slice %arg3[%mul3A_2] : memref<204800xi32, #tpu.memory_space<hbm>> -> memref<6400xi32, #tpu.memory_space<hbm>>
      tpu.enqueue_dma source(%dma_start3A_204 : memref<6400xi32, #tpu.memory_space<hbm>>) target(%arg5 : memref<6400xi32, #tpu.memory_space<vmem>>) target_semaphore(%run_scoped3A : memref<!tpu.dma_semaphore, #tpu.memory_space<semaphore_mem>>)
      %dma_wait3A_205 = tpu.memref_slice %arg3[%mul3A_2] : memref<204800xi32, #tpu.memory_space<hbm>> -> memref<6400xi32, #tpu.memory_space<hbm>>
      %dma_wait3A_206 = tpu.memref_slice %arg3[%mul3A_2] : memref<204800xi32, #tpu.memory_space<hbm>> -> memref<6400xi32, #tpu.memory_space<hbm>>
      tpu.wait_dma2 semaphore(%run_scoped3A : memref<!tpu.dma_semaphore, #tpu.memory_space<semaphore_mem>>) src(%dma_wait3A_206 : memref<6400xi32, #tpu.memory_space<hbm>>) dst(%arg5 : memref<6400xi32, #tpu.memory_space<vmem>>)
      tpu.yield
    }) : () -> ()
    %barrier3A = arith.constant 0 : index
    tpu.barrier barrier_id(%barrier3A)
    %dma_start3A = arith.constant 0 : i32
    %dma_start3A_5 = tpu.memref_slice %arg5[%dma_start3A] : memref<6400xi32, #tpu.memory_space<vmem>> -> memref<640xi32, #tpu.memory_space<vmem>>
    %dma_start3A_6 = arith.constant 0 : i32
    %dma_start3A_7 = arith.constant 0 : i32
    %dma_start3A_8 = tpu.memref_slice %arg8[%dma_start3A_6, %dma_start3A_7] : memref<64x64xf32, #tpu.memory_space<vmem_shared>> -> memref<64x64xf32, #tpu.memory_space<vmem_shared>>
    tpu.enqueue_indirect_dma source(%dma_start3A_8 : memref<64x64xf32, #tpu.memory_space<vmem_shared>>) target(%arg6 : memref<640x64xf32, #tpu.memory_space<vmem>>) offsets(%dma_start3A_5 : memref<640xi32, #tpu.memory_space<vmem>>) semaphore(%arg9 : memref<!tpu.dma_semaphore, #tpu.memory_space<semaphore_mem>>)
    %dma_wait3A = arith.constant 0 : i32
    %dma_wait3A_9 = tpu.memref_slice %arg5[%dma_wait3A] : memref<6400xi32, #tpu.memory_space<vmem>> -> memref<640xi32, #tpu.memory_space<vmem>>
    %dma_wait3A_10 = arith.constant 0 : i32
    %dma_wait3A_11 = arith.constant 0 : i32
    %dma_wait3A_12 = tpu.memref_slice %arg8[%dma_wait3A_10, %dma_wait3A_11] : memref<64x64xf32, #tpu.memory_space<vmem_shared>> -> memref<64x64xf32, #tpu.memory_space<vmem_shared>>
    tpu.wait_indirect_dma semaphore(%arg9 : memref<!tpu.dma_semaphore, #tpu.memory_space<semaphore_mem>>) src(%dma_wait3A_12 : memref<64x64xf32, #tpu.memory_space<vmem_shared>>) dst(%arg6 : memref<640x64xf32, #tpu.memory_space<vmem>>)
    %dma_start3A_13 = arith.constant 640 : i32
    %dma_start3A_14 = tpu.memref_slice %arg5[%dma_start3A_13] : memref<6400xi32, #tpu.memory_space<vmem>> -> memref<640xi32, #tpu.memory_space<vmem>>
    %dma_start3A_15 = arith.constant 0 : i32
    %dma_start3A_16 = arith.constant 0 : i32
    %dma_start3A_17 = tpu.memref_slice %arg8[%dma_start3A_15, %dma_start3A_16] : memref<64x64xf32, #tpu.memory_space<vmem_shared>> -> memref<64x64xf32, #tpu.memory_space<vmem_shared>>
    tpu.enqueue_indirect_dma source(%dma_start3A_17 : memref<64x64xf32, #tpu.memory_space<vmem_shared>>) target(%arg7 : memref<640x64xf32, #tpu.memory_space<vmem>>) offsets(%dma_start3A_14 : memref<640xi32, #tpu.memory_space<vmem>>) semaphore(%arg10 : memref<!tpu.dma_semaphore, #tpu.memory_space<semaphore_mem>>)
    %add3A_18 = arith.constant 0 : i32
    %add3A_19 = arith.addi %mul3A_2, %add3A_18 : i32
    %dma_start3A_20 = arith.constant 0 : i32
    %dma_start3A_21 = tpu.memref_slice %arg4[%add3A_19, %dma_start3A_20] : memref<204800x64xf32, #tpu.memory_space<hbm>> -> memref<640x64xf32, #tpu.memory_space<hbm>>
    %dma_start3A_22 = arith.constant 0 : i32
    %dma_start3A_23 = tpu.memref_slice %arg4[%add3A_19, %dma_start3A_22] : memref<204800x64xf32, #tpu.memory_space<hbm>> -> memref<640x64xf32, #tpu.memory_space<hbm>>
    tpu.enqueue_dma source(%arg6 : memref<640x64xf32, #tpu.memory_space<vmem>>) target(%dma_start3A_23 : memref<640x64xf32, #tpu.memory_space<hbm>>) target_semaphore(%arg11 : memref<!tpu.dma_semaphore, #tpu.memory_space<semaphore_mem>>)
    %dma_wait3A_24 = arith.constant 640 : i32
    %dma_wait3A_25 = tpu.memref_slice %arg5[%dma_wait3A_24] : memref<6400xi32, #tpu.memory_space<vmem>> -> memref<640xi32, #tpu.memory_space<vmem>>
    %dma_wait3A_26 = arith.constant 0 : i32
    %dma_wait3A_27 = arith.constant 0 : i32
    %dma_wait3A_28 = tpu.memref_slice %arg8[%dma_wait3A_26, %dma_wait3A_27] : memref<64x64xf32, #tpu.memory_space<vmem_shared>> -> memref<64x64xf32, #tpu.memory_space<vmem_shared>>
    tpu.wait_indirect_dma semaphore(%arg10 : memref<!tpu.dma_semaphore, #tpu.memory_space<semaphore_mem>>) src(%dma_wait3A_28 : memref<64x64xf32, #tpu.memory_space<vmem_shared>>) dst(%arg7 : memref<640x64xf32, #tpu.memory_space<vmem>>)
    %dma_wait3A_29 = arith.constant 0 : i32
    %dma_wait3A_30 = tpu.memref_slice %arg4[%add3A_19, %dma_wait3A_29] : memref<204800x64xf32, #tpu.memory_space<hbm>> -> memref<640x64xf32, #tpu.memory_space<hbm>>
    %dma_wait3A_31 = arith.constant 0 : i32
    %dma_wait3A_32 = tpu.memref_slice %arg4[%add3A_19, %dma_wait3A_31] : memref<204800x64xf32, #tpu.memory_space<hbm>> -> memref<640x64xf32, #tpu.memory_space<hbm>>
    tpu.wait_dma2 semaphore(%arg11 : memref<!tpu.dma_semaphore, #tpu.memory_space<semaphore_mem>>) src(%arg6 : memref<640x64xf32, #tpu.memory_space<vmem>>) dst(%dma_wait3A_32 : memref<640x64xf32, #tpu.memory_space<hbm>>)
    %dma_start3A_33 = arith.constant 1280 : i32
    %dma_start3A_34 = tpu.memref_slice %arg5[%dma_start3A_33] : memref<6400xi32, #tpu.memory_space<vmem>> -> memref<640xi32, #tpu.memory_space<vmem>>
    %dma_start3A_35 = arith.constant 0 : i32
    %dma_start3A_36 = arith.constant 0 : i32
    %dma_start3A_37 = tpu.memref_slice %arg8[%dma_start3A_35, %dma_start3A_36] : memref<64x64xf32, #tpu.memory_space<vmem_shared>> -> memref<64x64xf32, #tpu.memory_space<vmem_shared>>
    tpu.enqueue_indirect_dma source(%dma_start3A_37 : memref<64x64xf32, #tpu.memory_space<vmem_shared>>) target(%arg6 : memref<640x64xf32, #tpu.memory_space<vmem>>) offsets(%dma_start3A_34 : memref<640xi32, #tpu.memory_space<vmem>>) semaphore(%arg9 : memref<!tpu.dma_semaphore, #tpu.memory_space<semaphore_mem>>)
    %add3A_38 = arith.constant 640 : i32
    %add3A_39 = arith.addi %mul3A_2, %add3A_38 : i32
    %dma_start3A_40 = arith.constant 0 : i32
    %dma_start3A_41 = tpu.memref_slice %arg4[%add3A_39, %dma_start3A_40] : memref<204800x64xf32, #tpu.memory_space<hbm>> -> memref<640x64xf32, #tpu.memory_space<hbm>>
    %dma_start3A_42 = arith.constant 0 : i32
    %dma_start3A_43 = tpu.memref_slice %arg4[%add3A_39, %dma_start3A_42] : memref<204800x64xf32, #tpu.memory_space<hbm>> -> memref<640x64xf32, #tpu.memory_space<hbm>>
    tpu.enqueue_dma source(%arg7 : memref<640x64xf32, #tpu.memory_space<vmem>>) target(%dma_start3A_43 : memref<640x64xf32, #tpu.memory_space<hbm>>) target_semaphore(%arg12 : memref<!tpu.dma_semaphore, #tpu.memory_space<semaphore_mem>>)
    %dma_wait3A_44 = arith.constant 1280 : i32
    %dma_wait3A_45 = tpu.memref_slice %arg5[%dma_wait3A_44] : memref<6400xi32, #tpu.memory_space<vmem>> -> memref<640xi32, #tpu.memory_space<vmem>>
    %dma_wait3A_46 = arith.constant 0 : i32
    %dma_wait3A_47 = arith.constant 0 : i32
    %dma_wait3A_48 = tpu.memref_slice %arg8[%dma_wait3A_46, %dma_wait3A_47] : memref<64x64xf32, #tpu.memory_space<vmem_shared>> -> memref<64x64xf32, #tpu.memory_space<vmem_shared>>
    tpu.wait_indirect_dma semaphore(%arg9 : memref<!tpu.dma_semaphore, #tpu.memory_space<semaphore_mem>>) src(%dma_wait3A_48 : memref<64x64xf32, #tpu.memory_space<vmem_shared>>) dst(%arg6 : memref<640x64xf32, #tpu.memory_space<vmem>>)
    %dma_wait3A_49 = arith.constant 0 : i32
    %dma_wait3A_50 = tpu.memref_slice %arg4[%add3A_39, %dma_wait3A_49] : memref<204800x64xf32, #tpu.memory_space<hbm>> -> memref<640x64xf32, #tpu.memory_space<hbm>>
    %dma_wait3A_51 = arith.constant 0 : i32
    %dma_wait3A_52 = tpu.memref_slice %arg4[%add3A_39, %dma_wait3A_51] : memref<204800x64xf32, #tpu.memory_space<hbm>> -> memref<640x64xf32, #tpu.memory_space<hbm>>
    tpu.wait_dma2 semaphore(%arg12 : memref<!tpu.dma_semaphore, #tpu.memory_space<semaphore_mem>>) src(%arg7 : memref<640x64xf32, #tpu.memory_space<vmem>>) dst(%dma_wait3A_52 : memref<640x64xf32, #tpu.memory_space<hbm>>)
    %dma_start3A_53 = arith.constant 1920 : i32
    %dma_start3A_54 = tpu.memref_slice %arg5[%dma_start3A_53] : memref<6400xi32, #tpu.memory_space<vmem>> -> memref<640xi32, #tpu.memory_space<vmem>>
    %dma_start3A_55 = arith.constant 0 : i32
    %dma_start3A_56 = arith.constant 0 : i32
    %dma_start3A_57 = tpu.memref_slice %arg8[%dma_start3A_55, %dma_start3A_56] : memref<64x64xf32, #tpu.memory_space<vmem_shared>> -> memref<64x64xf32, #tpu.memory_space<vmem_shared>>
    tpu.enqueue_indirect_dma source(%dma_start3A_57 : memref<64x64xf32, #tpu.memory_space<vmem_shared>>) target(%arg7 : memref<640x64xf32, #tpu.memory_space<vmem>>) offsets(%dma_start3A_54 : memref<640xi32, #tpu.memory_space<vmem>>) semaphore(%arg10 : memref<!tpu.dma_semaphore, #tpu.memory_space<semaphore_mem>>)
    %add3A_58 = arith.constant 1280 : i32
    %add3A_59 = arith.addi %mul3A_2, %add3A_58 : i32
    %dma_start3A_60 = arith.constant 0 : i32
    %dma_start3A_61 = tpu.memref_slice %arg4[%add3A_59, %dma_start3A_60] : memref<204800x64xf32, #tpu.memory_space<hbm>> -> memref<640x64xf32, #tpu.memory_space<hbm>>
    %dma_start3A_62 = arith.constant 0 : i32
    %dma_start3A_63 = tpu.memref_slice %arg4[%add3A_59, %dma_start3A_62] : memref<204800x64xf32, #tpu.memory_space<hbm>> -> memref<640x64xf32, #tpu.memory_space<hbm>>
    tpu.enqueue_dma source(%arg6 : memref<640x64xf32, #tpu.memory_space<vmem>>) target(%dma_start3A_63 : memref<640x64xf32, #tpu.memory_space<hbm>>) target_semaphore(%arg11 : memref<!tpu.dma_semaphore, #tpu.memory_space<semaphore_mem>>)
    %dma_wait3A_64 = arith.constant 1920 : i32
    %dma_wait3A_65 = tpu.memref_slice %arg5[%dma_wait3A_64] : memref<6400xi32, #tpu.memory_space<vmem>> -> memref<640xi32, #tpu.memory_space<vmem>>
    %dma_wait3A_66 = arith.constant 0 : i32
    %dma_wait3A_67 = arith.constant 0 : i32
    %dma_wait3A_68 = tpu.memref_slice %arg8[%dma_wait3A_66, %dma_wait3A_67] : memref<64x64xf32, #tpu.memory_space<vmem_shared>> -> memref<64x64xf32, #tpu.memory_space<vmem_shared>>
    tpu.wait_indirect_dma semaphore(%arg10 : memref<!tpu.dma_semaphore, #tpu.memory_space<semaphore_mem>>) src(%dma_wait3A_68 : memref<64x64xf32, #tpu.memory_space<vmem_shared>>) dst(%arg7 : memref<640x64xf32, #tpu.memory_space<vmem>>)
    %dma_wait3A_69 = arith.constant 0 : i32
    %dma_wait3A_70 = tpu.memref_slice %arg4[%add3A_59, %dma_wait3A_69] : memref<204800x64xf32, #tpu.memory_space<hbm>> -> memref<640x64xf32, #tpu.memory_space<hbm>>
    %dma_wait3A_71 = arith.constant 0 : i32
    %dma_wait3A_72 = tpu.memref_slice %arg4[%add3A_59, %dma_wait3A_71] : memref<204800x64xf32, #tpu.memory_space<hbm>> -> memref<640x64xf32, #tpu.memory_space<hbm>>
    tpu.wait_dma2 semaphore(%arg11 : memref<!tpu.dma_semaphore, #tpu.memory_space<semaphore_mem>>) src(%arg6 : memref<640x64xf32, #tpu.memory_space<vmem>>) dst(%dma_wait3A_72 : memref<640x64xf32, #tpu.memory_space<hbm>>)
    %dma_start3A_73 = arith.constant 2560 : i32
    %dma_start3A_74 = tpu.memref_slice %arg5[%dma_start3A_73] : memref<6400xi32, #tpu.memory_space<vmem>> -> memref<640xi32, #tpu.memory_space<vmem>>
    %dma_start3A_75 = arith.constant 0 : i32
    %dma_start3A_76 = arith.constant 0 : i32
    %dma_start3A_77 = tpu.memref_slice %arg8[%dma_start3A_75, %dma_start3A_76] : memref<64x64xf32, #tpu.memory_space<vmem_shared>> -> memref<64x64xf32, #tpu.memory_space<vmem_shared>>
    tpu.enqueue_indirect_dma source(%dma_start3A_77 : memref<64x64xf32, #tpu.memory_space<vmem_shared>>) target(%arg6 : memref<640x64xf32, #tpu.memory_space<vmem>>) offsets(%dma_start3A_74 : memref<640xi32, #tpu.memory_space<vmem>>) semaphore(%arg9 : memref<!tpu.dma_semaphore, #tpu.memory_space<semaphore_mem>>)
    %add3A_78 = arith.constant 1920 : i32
    %add3A_79 = arith.addi %mul3A_2, %add3A_78 : i32
    %dma_start3A_80 = arith.constant 0 : i32
    %dma_start3A_81 = tpu.memref_slice %arg4[%add3A_79, %dma_start3A_80] : memref<204800x64xf32, #tpu.memory_space<hbm>> -> memref<640x64xf32, #tpu.memory_space<hbm>>
    %dma_start3A_82 = arith.constant 0 : i32
    %dma_start3A_83 = tpu.memref_slice %arg4[%add3A_79, %dma_start3A_82] : memref<204800x64xf32, #tpu.memory_space<hbm>> -> memref<640x64xf32, #tpu.memory_space<hbm>>
    tpu.enqueue_dma source(%arg7 : memref<640x64xf32, #tpu.memory_space<vmem>>) target(%dma_start3A_83 : memref<640x64xf32, #tpu.memory_space<hbm>>) target_semaphore(%arg12 : memref<!tpu.dma_semaphore, #tpu.memory_space<semaphore_mem>>)
    %dma_wait3A_84 = arith.constant 2560 : i32
    %dma_wait3A_85 = tpu.memref_slice %arg5[%dma_wait3A_84] : memref<6400xi32, #tpu.memory_space<vmem>> -> memref<640xi32, #tpu.memory_space<vmem>>
    %dma_wait3A_86 = arith.constant 0 : i32
    %dma_wait3A_87 = arith.constant 0 : i32
    %dma_wait3A_88 = tpu.memref_slice %arg8[%dma_wait3A_86, %dma_wait3A_87] : memref<64x64xf32, #tpu.memory_space<vmem_shared>> -> memref<64x64xf32, #tpu.memory_space<vmem_shared>>
    tpu.wait_indirect_dma semaphore(%arg9 : memref<!tpu.dma_semaphore, #tpu.memory_space<semaphore_mem>>) src(%dma_wait3A_88 : memref<64x64xf32, #tpu.memory_space<vmem_shared>>) dst(%arg6 : memref<640x64xf32, #tpu.memory_space<vmem>>)
    %dma_wait3A_89 = arith.constant 0 : i32
    %dma_wait3A_90 = tpu.memref_slice %arg4[%add3A_79, %dma_wait3A_89] : memref<204800x64xf32, #tpu.memory_space<hbm>> -> memref<640x64xf32, #tpu.memory_space<hbm>>
    %dma_wait3A_91 = arith.constant 0 : i32
    %dma_wait3A_92 = tpu.memref_slice %arg4[%add3A_79, %dma_wait3A_91] : memref<204800x64xf32, #tpu.memory_space<hbm>> -> memref<640x64xf32, #tpu.memory_space<hbm>>
    tpu.wait_dma2 semaphore(%arg12 : memref<!tpu.dma_semaphore, #tpu.memory_space<semaphore_mem>>) src(%arg7 : memref<640x64xf32, #tpu.memory_space<vmem>>) dst(%dma_wait3A_92 : memref<640x64xf32, #tpu.memory_space<hbm>>)
    %dma_start3A_93 = arith.constant 3200 : i32
    %dma_start3A_94 = tpu.memref_slice %arg5[%dma_start3A_93] : memref<6400xi32, #tpu.memory_space<vmem>> -> memref<640xi32, #tpu.memory_space<vmem>>
    %dma_start3A_95 = arith.constant 0 : i32
    %dma_start3A_96 = arith.constant 0 : i32
    %dma_start3A_97 = tpu.memref_slice %arg8[%dma_start3A_95, %dma_start3A_96] : memref<64x64xf32, #tpu.memory_space<vmem_shared>> -> memref<64x64xf32, #tpu.memory_space<vmem_shared>>
    tpu.enqueue_indirect_dma source(%dma_start3A_97 : memref<64x64xf32, #tpu.memory_space<vmem_shared>>) target(%arg7 : memref<640x64xf32, #tpu.memory_space<vmem>>) offsets(%dma_start3A_94 : memref<640xi32, #tpu.memory_space<vmem>>) semaphore(%arg10 : memref<!tpu.dma_semaphore, #tpu.memory_space<semaphore_mem>>)
    %add3A_98 = arith.constant 2560 : i32
    %add3A_99 = arith.addi %mul3A_2, %add3A_98 : i32
    %dma_start3A_100 = arith.constant 0 : i32
    %dma_start3A_101 = tpu.memref_slice %arg4[%add3A_99, %dma_start3A_100] : memref<204800x64xf32, #tpu.memory_space<hbm>> -> memref<640x64xf32, #tpu.memory_space<hbm>>
    %dma_start3A_102 = arith.constant 0 : i32
    %dma_start3A_103 = tpu.memref_slice %arg4[%add3A_99, %dma_start3A_102] : memref<204800x64xf32, #tpu.memory_space<hbm>> -> memref<640x64xf32, #tpu.memory_space<hbm>>
    tpu.enqueue_dma source(%arg6 : memref<640x64xf32, #tpu.memory_space<vmem>>) target(%dma_start3A_103 : memref<640x64xf32, #tpu.memory_space<hbm>>) target_semaphore(%arg11 : memref<!tpu.dma_semaphore, #tpu.memory_space<semaphore_mem>>)
    %dma_wait3A_104 = arith.constant 3200 : i32
    %dma_wait3A_105 = tpu.memref_slice %arg5[%dma_wait3A_104] : memref<6400xi32, #tpu.memory_space<vmem>> -> memref<640xi32, #tpu.memory_space<vmem>>
    %dma_wait3A_106 = arith.constant 0 : i32
    %dma_wait3A_107 = arith.constant 0 : i32
    %dma_wait3A_108 = tpu.memref_slice %arg8[%dma_wait3A_106, %dma_wait3A_107] : memref<64x64xf32, #tpu.memory_space<vmem_shared>> -> memref<64x64xf32, #tpu.memory_space<vmem_shared>>
    tpu.wait_indirect_dma semaphore(%arg10 : memref<!tpu.dma_semaphore, #tpu.memory_space<semaphore_mem>>) src(%dma_wait3A_108 : memref<64x64xf32, #tpu.memory_space<vmem_shared>>) dst(%arg7 : memref<640x64xf32, #tpu.memory_space<vmem>>)
    %dma_wait3A_109 = arith.constant 0 : i32
    %dma_wait3A_110 = tpu.memref_slice %arg4[%add3A_99, %dma_wait3A_109] : memref<204800x64xf32, #tpu.memory_space<hbm>> -> memref<640x64xf32, #tpu.memory_space<hbm>>
    %dma_wait3A_111 = arith.constant 0 : i32
    %dma_wait3A_112 = tpu.memref_slice %arg4[%add3A_99, %dma_wait3A_111] : memref<204800x64xf32, #tpu.memory_space<hbm>> -> memref<640x64xf32, #tpu.memory_space<hbm>>
    tpu.wait_dma2 semaphore(%arg11 : memref<!tpu.dma_semaphore, #tpu.memory_space<semaphore_mem>>) src(%arg6 : memref<640x64xf32, #tpu.memory_space<vmem>>) dst(%dma_wait3A_112 : memref<640x64xf32, #tpu.memory_space<hbm>>)
    %dma_start3A_113 = arith.constant 3840 : i32
    %dma_start3A_114 = tpu.memref_slice %arg5[%dma_start3A_113] : memref<6400xi32, #tpu.memory_space<vmem>> -> memref<640xi32, #tpu.memory_space<vmem>>
    %dma_start3A_115 = arith.constant 0 : i32
    %dma_start3A_116 = arith.constant 0 : i32
    %dma_start3A_117 = tpu.memref_slice %arg8[%dma_start3A_115, %dma_start3A_116] : memref<64x64xf32, #tpu.memory_space<vmem_shared>> -> memref<64x64xf32, #tpu.memory_space<vmem_shared>>
    tpu.enqueue_indirect_dma source(%dma_start3A_117 : memref<64x64xf32, #tpu.memory_space<vmem_shared>>) target(%arg6 : memref<640x64xf32, #tpu.memory_space<vmem>>) offsets(%dma_start3A_114 : memref<640xi32, #tpu.memory_space<vmem>>) semaphore(%arg9 : memref<!tpu.dma_semaphore, #tpu.memory_space<semaphore_mem>>)
    %add3A_118 = arith.constant 3200 : i32
    %add3A_119 = arith.addi %mul3A_2, %add3A_118 : i32
    %dma_start3A_120 = arith.constant 0 : i32
    %dma_start3A_121 = tpu.memref_slice %arg4[%add3A_119, %dma_start3A_120] : memref<204800x64xf32, #tpu.memory_space<hbm>> -> memref<640x64xf32, #tpu.memory_space<hbm>>
    %dma_start3A_122 = arith.constant 0 : i32
    %dma_start3A_123 = tpu.memref_slice %arg4[%add3A_119, %dma_start3A_122] : memref<204800x64xf32, #tpu.memory_space<hbm>> -> memref<640x64xf32, #tpu.memory_space<hbm>>
    tpu.enqueue_dma source(%arg7 : memref<640x64xf32, #tpu.memory_space<vmem>>) target(%dma_start3A_123 : memref<640x64xf32, #tpu.memory_space<hbm>>) target_semaphore(%arg12 : memref<!tpu.dma_semaphore, #tpu.memory_space<semaphore_mem>>)
    %dma_wait3A_124 = arith.constant 3840 : i32
    %dma_wait3A_125 = tpu.memref_slice %arg5[%dma_wait3A_124] : memref<6400xi32, #tpu.memory_space<vmem>> -> memref<640xi32, #tpu.memory_space<vmem>>
    %dma_wait3A_126 = arith.constant 0 : i32
    %dma_wait3A_127 = arith.constant 0 : i32
    %dma_wait3A_128 = tpu.memref_slice %arg8[%dma_wait3A_126, %dma_wait3A_127] : memref<64x64xf32, #tpu.memory_space<vmem_shared>> -> memref<64x64xf32, #tpu.memory_space<vmem_shared>>
    tpu.wait_indirect_dma semaphore(%arg9 : memref<!tpu.dma_semaphore, #tpu.memory_space<semaphore_mem>>) src(%dma_wait3A_128 : memref<64x64xf32, #tpu.memory_space<vmem_shared>>) dst(%arg6 : memref<640x64xf32, #tpu.memory_space<vmem>>)
    %dma_wait3A_129 = arith.constant 0 : i32
    %dma_wait3A_130 = tpu.memref_slice %arg4[%add3A_119, %dma_wait3A_129] : memref<204800x64xf32, #tpu.memory_space<hbm>> -> memref<640x64xf32, #tpu.memory_space<hbm>>
    %dma_wait3A_131 = arith.constant 0 : i32
    %dma_wait3A_132 = tpu.memref_slice %arg4[%add3A_119, %dma_wait3A_131] : memref<204800x64xf32, #tpu.memory_space<hbm>> -> memref<640x64xf32, #tpu.memory_space<hbm>>
    tpu.wait_dma2 semaphore(%arg12 : memref<!tpu.dma_semaphore, #tpu.memory_space<semaphore_mem>>) src(%arg7 : memref<640x64xf32, #tpu.memory_space<vmem>>) dst(%dma_wait3A_132 : memref<640x64xf32, #tpu.memory_space<hbm>>)
    %dma_start3A_133 = arith.constant 4480 : i32
    %dma_start3A_134 = tpu.memref_slice %arg5[%dma_start3A_133] : memref<6400xi32, #tpu.memory_space<vmem>> -> memref<640xi32, #tpu.memory_space<vmem>>
    %dma_start3A_135 = arith.constant 0 : i32
    %dma_start3A_136 = arith.constant 0 : i32
    %dma_start3A_137 = tpu.memref_slice %arg8[%dma_start3A_135, %dma_start3A_136] : memref<64x64xf32, #tpu.memory_space<vmem_shared>> -> memref<64x64xf32, #tpu.memory_space<vmem_shared>>
    tpu.enqueue_indirect_dma source(%dma_start3A_137 : memref<64x64xf32, #tpu.memory_space<vmem_shared>>) target(%arg7 : memref<640x64xf32, #tpu.memory_space<vmem>>) offsets(%dma_start3A_134 : memref<640xi32, #tpu.memory_space<vmem>>) semaphore(%arg10 : memref<!tpu.dma_semaphore, #tpu.memory_space<semaphore_mem>>)
    %add3A_138 = arith.constant 3840 : i32
    %add3A_139 = arith.addi %mul3A_2, %add3A_138 : i32
    %dma_start3A_140 = arith.constant 0 : i32
    %dma_start3A_141 = tpu.memref_slice %arg4[%add3A_139, %dma_start3A_140] : memref<204800x64xf32, #tpu.memory_space<hbm>> -> memref<640x64xf32, #tpu.memory_space<hbm>>
    %dma_start3A_142 = arith.constant 0 : i32
    %dma_start3A_143 = tpu.memref_slice %arg4[%add3A_139, %dma_start3A_142] : memref<204800x64xf32, #tpu.memory_space<hbm>> -> memref<640x64xf32, #tpu.memory_space<hbm>>
    tpu.enqueue_dma source(%arg6 : memref<640x64xf32, #tpu.memory_space<vmem>>) target(%dma_start3A_143 : memref<640x64xf32, #tpu.memory_space<hbm>>) target_semaphore(%arg11 : memref<!tpu.dma_semaphore, #tpu.memory_space<semaphore_mem>>)
    %dma_wait3A_144 = arith.constant 4480 : i32
    %dma_wait3A_145 = tpu.memref_slice %arg5[%dma_wait3A_144] : memref<6400xi32, #tpu.memory_space<vmem>> -> memref<640xi32, #tpu.memory_space<vmem>>
    %dma_wait3A_146 = arith.constant 0 : i32
    %dma_wait3A_147 = arith.constant 0 : i32
    %dma_wait3A_148 = tpu.memref_slice %arg8[%dma_wait3A_146, %dma_wait3A_147] : memref<64x64xf32, #tpu.memory_space<vmem_shared>> -> memref<64x64xf32, #tpu.memory_space<vmem_shared>>
    tpu.wait_indirect_dma semaphore(%arg10 : memref<!tpu.dma_semaphore, #tpu.memory_space<semaphore_mem>>) src(%dma_wait3A_148 : memref<64x64xf32, #tpu.memory_space<vmem_shared>>) dst(%arg7 : memref<640x64xf32, #tpu.memory_space<vmem>>)
    %dma_wait3A_149 = arith.constant 0 : i32
    %dma_wait3A_150 = tpu.memref_slice %arg4[%add3A_139, %dma_wait3A_149] : memref<204800x64xf32, #tpu.memory_space<hbm>> -> memref<640x64xf32, #tpu.memory_space<hbm>>
    %dma_wait3A_151 = arith.constant 0 : i32
    %dma_wait3A_152 = tpu.memref_slice %arg4[%add3A_139, %dma_wait3A_151] : memref<204800x64xf32, #tpu.memory_space<hbm>> -> memref<640x64xf32, #tpu.memory_space<hbm>>
    tpu.wait_dma2 semaphore(%arg11 : memref<!tpu.dma_semaphore, #tpu.memory_space<semaphore_mem>>) src(%arg6 : memref<640x64xf32, #tpu.memory_space<vmem>>) dst(%dma_wait3A_152 : memref<640x64xf32, #tpu.memory_space<hbm>>)
    %dma_start3A_153 = arith.constant 5120 : i32
    %dma_start3A_154 = tpu.memref_slice %arg5[%dma_start3A_153] : memref<6400xi32, #tpu.memory_space<vmem>> -> memref<640xi32, #tpu.memory_space<vmem>>
    %dma_start3A_155 = arith.constant 0 : i32
    %dma_start3A_156 = arith.constant 0 : i32
    %dma_start3A_157 = tpu.memref_slice %arg8[%dma_start3A_155, %dma_start3A_156] : memref<64x64xf32, #tpu.memory_space<vmem_shared>> -> memref<64x64xf32, #tpu.memory_space<vmem_shared>>
    tpu.enqueue_indirect_dma source(%dma_start3A_157 : memref<64x64xf32, #tpu.memory_space<vmem_shared>>) target(%arg6 : memref<640x64xf32, #tpu.memory_space<vmem>>) offsets(%dma_start3A_154 : memref<640xi32, #tpu.memory_space<vmem>>) semaphore(%arg9 : memref<!tpu.dma_semaphore, #tpu.memory_space<semaphore_mem>>)
    %add3A_158 = arith.constant 4480 : i32
    %add3A_159 = arith.addi %mul3A_2, %add3A_158 : i32
    %dma_start3A_160 = arith.constant 0 : i32
    %dma_start3A_161 = tpu.memref_slice %arg4[%add3A_159, %dma_start3A_160] : memref<204800x64xf32, #tpu.memory_space<hbm>> -> memref<640x64xf32, #tpu.memory_space<hbm>>
    %dma_start3A_162 = arith.constant 0 : i32
    %dma_start3A_163 = tpu.memref_slice %arg4[%add3A_159, %dma_start3A_162] : memref<204800x64xf32, #tpu.memory_space<hbm>> -> memref<640x64xf32, #tpu.memory_space<hbm>>
    tpu.enqueue_dma source(%arg7 : memref<640x64xf32, #tpu.memory_space<vmem>>) target(%dma_start3A_163 : memref<640x64xf32, #tpu.memory_space<hbm>>) target_semaphore(%arg12 : memref<!tpu.dma_semaphore, #tpu.memory_space<semaphore_mem>>)
    %dma_wait3A_164 = arith.constant 5120 : i32
    %dma_wait3A_165 = tpu.memref_slice %arg5[%dma_wait3A_164] : memref<6400xi32, #tpu.memory_space<vmem>> -> memref<640xi32, #tpu.memory_space<vmem>>
    %dma_wait3A_166 = arith.constant 0 : i32
    %dma_wait3A_167 = arith.constant 0 : i32
    %dma_wait3A_168 = tpu.memref_slice %arg8[%dma_wait3A_166, %dma_wait3A_167] : memref<64x64xf32, #tpu.memory_space<vmem_shared>> -> memref<64x64xf32, #tpu.memory_space<vmem_shared>>
    tpu.wait_indirect_dma semaphore(%arg9 : memref<!tpu.dma_semaphore, #tpu.memory_space<semaphore_mem>>) src(%dma_wait3A_168 : memref<64x64xf32, #tpu.memory_space<vmem_shared>>) dst(%arg6 : memref<640x64xf32, #tpu.memory_space<vmem>>)
    %dma_wait3A_169 = arith.constant 0 : i32
    %dma_wait3A_170 = tpu.memref_slice %arg4[%add3A_159, %dma_wait3A_169] : memref<204800x64xf32, #tpu.memory_space<hbm>> -> memref<640x64xf32, #tpu.memory_space<hbm>>
    %dma_wait3A_171 = arith.constant 0 : i32
    %dma_wait3A_172 = tpu.memref_slice %arg4[%add3A_159, %dma_wait3A_171] : memref<204800x64xf32, #tpu.memory_space<hbm>> -> memref<640x64xf32, #tpu.memory_space<hbm>>
    tpu.wait_dma2 semaphore(%arg12 : memref<!tpu.dma_semaphore, #tpu.memory_space<semaphore_mem>>) src(%arg7 : memref<640x64xf32, #tpu.memory_space<vmem>>) dst(%dma_wait3A_172 : memref<640x64xf32, #tpu.memory_space<hbm>>)
    %dma_start3A_173 = arith.constant 5760 : i32
    %dma_start3A_174 = tpu.memref_slice %arg5[%dma_start3A_173] : memref<6400xi32, #tpu.memory_space<vmem>> -> memref<640xi32, #tpu.memory_space<vmem>>
    %dma_start3A_175 = arith.constant 0 : i32
    %dma_start3A_176 = arith.constant 0 : i32
    %dma_start3A_177 = tpu.memref_slice %arg8[%dma_start3A_175, %dma_start3A_176] : memref<64x64xf32, #tpu.memory_space<vmem_shared>> -> memref<64x64xf32, #tpu.memory_space<vmem_shared>>
    tpu.enqueue_indirect_dma source(%dma_start3A_177 : memref<64x64xf32, #tpu.memory_space<vmem_shared>>) target(%arg7 : memref<640x64xf32, #tpu.memory_space<vmem>>) offsets(%dma_start3A_174 : memref<640xi32, #tpu.memory_space<vmem>>) semaphore(%arg10 : memref<!tpu.dma_semaphore, #tpu.memory_space<semaphore_mem>>)
    %add3A_178 = arith.constant 5120 : i32
    %add3A_179 = arith.addi %mul3A_2, %add3A_178 : i32
    %dma_start3A_180 = arith.constant 0 : i32
    %dma_start3A_181 = tpu.memref_slice %arg4[%add3A_179, %dma_start3A_180] : memref<204800x64xf32, #tpu.memory_space<hbm>> -> memref<640x64xf32, #tpu.memory_space<hbm>>
    %dma_start3A_182 = arith.constant 0 : i32
    %dma_start3A_183 = tpu.memref_slice %arg4[%add3A_179, %dma_start3A_182] : memref<204800x64xf32, #tpu.memory_space<hbm>> -> memref<640x64xf32, #tpu.memory_space<hbm>>
    tpu.enqueue_dma source(%arg6 : memref<640x64xf32, #tpu.memory_space<vmem>>) target(%dma_start3A_183 : memref<640x64xf32, #tpu.memory_space<hbm>>) target_semaphore(%arg11 : memref<!tpu.dma_semaphore, #tpu.memory_space<semaphore_mem>>)
    %dma_wait3A_184 = arith.constant 5760 : i32
    %dma_wait3A_185 = tpu.memref_slice %arg5[%dma_wait3A_184] : memref<6400xi32, #tpu.memory_space<vmem>> -> memref<640xi32, #tpu.memory_space<vmem>>
    %dma_wait3A_186 = arith.constant 0 : i32
    %dma_wait3A_187 = arith.constant 0 : i32
    %dma_wait3A_188 = tpu.memref_slice %arg8[%dma_wait3A_186, %dma_wait3A_187] : memref<64x64xf32, #tpu.memory_space<vmem_shared>> -> memref<64x64xf32, #tpu.memory_space<vmem_shared>>
    tpu.wait_indirect_dma semaphore(%arg10 : memref<!tpu.dma_semaphore, #tpu.memory_space<semaphore_mem>>) src(%dma_wait3A_188 : memref<64x64xf32, #tpu.memory_space<vmem_shared>>) dst(%arg7 : memref<640x64xf32, #tpu.memory_space<vmem>>)
    %add3A_189 = arith.constant 5760 : i32
    %add3A_190 = arith.addi %mul3A_2, %add3A_189 : i32
    %dma_start3A_191 = arith.constant 0 : i32
    %dma_start3A_192 = tpu.memref_slice %arg4[%add3A_190, %dma_start3A_191] : memref<204800x64xf32, #tpu.memory_space<hbm>> -> memref<640x64xf32, #tpu.memory_space<hbm>>
    %dma_start3A_193 = arith.constant 0 : i32
    %dma_start3A_194 = tpu.memref_slice %arg4[%add3A_190, %dma_start3A_193] : memref<204800x64xf32, #tpu.memory_space<hbm>> -> memref<640x64xf32, #tpu.memory_space<hbm>>
    tpu.enqueue_dma source(%arg7 : memref<640x64xf32, #tpu.memory_space<vmem>>) target(%dma_start3A_194 : memref<640x64xf32, #tpu.memory_space<hbm>>) target_semaphore(%arg12 : memref<!tpu.dma_semaphore, #tpu.memory_space<semaphore_mem>>)
    %dma_wait3A_195 = arith.constant 0 : i32
    %dma_wait3A_196 = tpu.memref_slice %arg4[%add3A_190, %dma_wait3A_195] : memref<204800x64xf32, #tpu.memory_space<hbm>> -> memref<640x64xf32, #tpu.memory_space<hbm>>
    %dma_wait3A_197 = arith.constant 0 : i32
    %dma_wait3A_198 = tpu.memref_slice %arg4[%add3A_190, %dma_wait3A_197] : memref<204800x64xf32, #tpu.memory_space<hbm>> -> memref<640x64xf32, #tpu.memory_space<hbm>>
    tpu.wait_dma2 semaphore(%arg12 : memref<!tpu.dma_semaphore, #tpu.memory_space<semaphore_mem>>) src(%arg7 : memref<640x64xf32, #tpu.memory_space<vmem>>) dst(%dma_wait3A_198 : memref<640x64xf32, #tpu.memory_space<hbm>>)
    %dma_wait3A_199 = arith.constant 0 : i32
    %dma_wait3A_200 = tpu.memref_slice %arg4[%add3A_179, %dma_wait3A_199] : memref<204800x64xf32, #tpu.memory_space<hbm>> -> memref<640x64xf32, #tpu.memory_space<hbm>>
    %dma_wait3A_201 = arith.constant 0 : i32
    %dma_wait3A_202 = tpu.memref_slice %arg4[%add3A_179, %dma_wait3A_201] : memref<204800x64xf32, #tpu.memory_space<hbm>> -> memref<640x64xf32, #tpu.memory_space<hbm>>
    tpu.wait_dma2 semaphore(%arg11 : memref<!tpu.dma_semaphore, #tpu.memory_space<semaphore_mem>>) src(%arg6 : memref<640x64xf32, #tpu.memory_space<vmem>>) dst(%dma_wait3A_202 : memref<640x64xf32, #tpu.memory_space<hbm>>)
    return
  }
}

</mosaic_0001>

<sc_bundles>
// kernel: _gather_call.3.cloned.1.call-start
scs
__scs_entry_jumppad:
0x0: {  	(pc) =	sbr.rel $0x88, $3  }
0x1: {  	(tag) =	ssettag $0x0;
	lr =	simm.s32 $0x1  }
0x2: {  	[smem:$0x3F9F] =	sst lr;
	_ =	strace $0xD0000000  }
0x3: {  	_ = 	snop  }
0x4: {  	_ = 	snop  }
0x5: {  	_ = 	snop  }
0x6: {  	_ = 	snop  }
0x7: {  	_ = 	snop  }
__scs_overlays_trampoline_lowered:
0x8: {  	[smem:$0x3FAE] =	sst s0  }
0x9: {  	[smem:$0x3FAF] =	sst s1  }
0xa: {  	[smem:$0x3FB0] =	sst s2  }
0xb: {  	[smem:$0x3FB1] =	sst s3  }
0xc: {  	[smem:$0x3FB2] =	sst s4  }
0xd: {  	[smem:$0x3FB3] =	sst s5  }
0xe: {  	[smem:$0x3FB4] =	sst s6  }
0xf: {  	[smem:$0x3FB5] =	sst s7  }
0x10: {  	[smem:$0x3FB6] =	sst s8  }
0x11: {  	[smem:$0x3FB7] =	sst s9;
	s0 =	simm.s32 @!p0 $0x0  }
0x12: {  	s1 =	sld [smem:$0x3F9D];
	s0 =	simm.s32 @p0 $0x1  }
0x13: {  	[smem:$0x3FB8] =	sst s0;
	s0 =	simm.s32 @!p1 $0x0  }
0x14: {  	s2 =	sld [smem:$0x3F9C];
	s0 =	simm.s32 @p1 $0x1  }
0x15: {  	[smem:$0x3FB9] =	sst s0;
	s0 =	simm.s32 @!p2 $0x0  }
0x16: {  	s3 =	sld [smem:$0x3FDB];
	s0 =	simm.s32 @p2 $0x1  }
0x17: {  	s4 =	simm.s32 $0x1BF5;
	[smem:$0x3FBB] =	sst s0  }
0x18: {  	s0 =	sld [smem:$0x3F9E];
	_ =	swait.ge [sflag:s4], $0x0  }
0x19: {  	s7 =	sld [smem:$0x3F9F]  }
0x1a: {  	s8 =	sadd.s32 $0xFFFFE003, lr  }
0x1b: {  	s9 =	sadd.s32 $0xFFFFFEF7, lr;
	s5 =	simm.s32 $0xFFFFFFFF;
	p2 =	slt.u32 s8, $0xFFFFF086  }
0x1c: {  	p1 =	slt.u32 s9, $0xF7A;
	s5 =	simm.s32 @!p2 $0x0  }
0x1d: {  	s5 =	simm.s32 @p1 $0x1;
	p0 =	seq.s32 s7, s2  }
0x1e: {  	s7 =	smul.u32 @!p0 $0xF7A, s2;
	p2 =	seq.s32 @!p0 s5, $0x0  }
0x1f: {  	s9 =	smul.u32 $0xF7A, s1;
	s8 =	simm.s32 @!p0 $0x1BF5;
	p2 =	por !p2, p0  }
0x20: {  	[sflag:s8] =	ssyncset.s32 @!p0 $0xFFFFF086;
	s6 =	sadd.s32 @!p0 s3, s7;
	s7 =	simm.s32 @!p0 $0x108  }
0x21: {  	s3 =	sadd.s32 s3, s9;
	s6 =	sadd.s32 @!p0 $0x88, s6;
	s7 =	simm.s32 @p2 $0x1082  }
0x22: {  	[simem:s7], [sflag:s8] =	dma.local @!p0 [hbm:s6], $0xF7A  }
0x23: {  	s9 =	sor.u32 $0xD0000000, s2;
	s6 =	simm.s32 $0x108;
	_ =	swait.ge @!p0 [sflag:s8], $0x0  }
0x24: {  	s3 =	sadd.s32 $0x88, s3;
	s6 =	simm.s32 @!p1 $0x1082;
	[sflag:s4] =	ssyncset.s32 $0xFFFFF086  }
0x25: {  	[simem:s6], [sflag:s4] =	dma.local [hbm:s3], $0xF7A  }
0x26: {  	[smem:$0x3F9F] =	sst s1;
	(tag) =	ssettag s2;
	_ =	strace s9  }
0x27: {  	s1 =	sld [smem:$0x3FAF]  }
0x28: {  	s2 =	sld [smem:$0x3FB0]  }
0x29: {  	s4 =	sld [smem:$0x3FB2]  }
0x2a: {  	p0 =	seq.s32 s5, $0x0;
	s5 =	sld [smem:$0x3FB3]  }
0x2b: {  	s6 =	sld [smem:$0x3FB4]  }
0x2c: {  	s7 =	sld [smem:$0x3FB5]  }
0x2d: {  	s3 =	simm.s32 $0x108;
	s8 =	sld [smem:$0x3FB6]  }
0x2e: {  	s3 =	simm.s32 @!p0 $0x1082;
	s9 =	sld [smem:$0x3FB7]  }
0x2f: {  	lr =	sadd.s32 s0, s3;
	s0 =	sld [smem:$0x3FAE]  }
0x30: {  	s3 =	sld [smem:$0x3FB1]  }
0x31: {  	[smem:$0x3FBA] =	sst s10  }
0x32: {  	s10 =	sld [smem:$0x3FB8];
	_ =	sdelay $0x3  }
0x33: {  	p0 =	seq.s32 s10, $0x1;
	s10 =	sld [smem:$0x3FBA];
	_ =	sdelay $0x3  }
0x34: {  	[smem:$0x3FBA] =	sst s10  }
0x35: {  	s10 =	sld [smem:$0x3FB9];
	_ =	sdelay $0x3  }
0x36: {  	p1 =	seq.s32 s10, $0x1;
	s10 =	sld [smem:$0x3FBA];
	_ =	sdelay $0x3  }
0x37: {  	[smem:$0x3FBA] =	sst s10  }
0x38: {  	s10 =	sld [smem:$0x3FBB]  }
0x39: {  	_ = 	snop;
	(pc) =	sbr.ind lr, $3  }
0x3a: {  	_ = 	snop  }
0x3b: {  	_ = 	snop  }
0x3c: {  	p2 =	seq.s32 s10, $0x1;
	s10 =	sld [smem:$0x3FBA]  }
0x3d: {  	_ =	shalt  }
0x3e: {  	_ =	shalt  }
0x3f: {  	_ =	shalt  }
0x40: {  	_ =	shalt  }
0x41: {  	_ =	shalt  }
0x42: {  	_ =	shalt  }
0x43: {  	_ =	shalt  }
0x44: {  	_ =	shalt  }
0x45: {  	_ =	shalt  }
0x46: {  	_ =	shalt  }
0x47: {  	_ =	shalt  }
0x48: {  	_ =	shalt  }
0x49: {  	_ =	shalt  }
0x4a: {  	_ =	shalt  }
0x4b: {  	_ =	shalt  }
0x4c: {  	_ =	shalt  }
0x4d: {  	_ =	shalt  }
0x4e: {  	_ =	shalt  }
0x4f: {  	_ =	shalt  }
0x50: {  	_ =	shalt  }
0x51: {  	_ =	shalt  }
0x52: {  	_ =	shalt  }
0x53: {  	_ =	shalt  }
0x54: {  	_ =	shalt  }
0x55: {  	_ =	shalt  }
0x56: {  	_ =	shalt  }
0x57: {  	_ =	shalt  }
0x58: {  	_ =	shalt  }
0x59: {  	_ =	shalt  }
0x5a: {  	_ =	shalt  }
0x5b: {  	_ =	shalt  }
0x5c: {  	_ =	shalt  }
0x5d: {  	_ =	shalt  }
0x5e: {  	_ =	shalt  }
0x5f: {  	_ =	shalt  }
0x60: {  	_ =	shalt  }
0x61: {  	_ =	shalt  }
0x62: {  	_ =	shalt  }
0x63: {  	_ =	shalt  }
0x64: {  	_ =	shalt  }
0x65: {  	_ =	shalt  }
0x66: {  	_ =	shalt  }
0x67: {  	_ =	shalt  }
0x68: {  	_ =	shalt  }
0x69: {  	_ =	shalt  }
0x6a: {  	_ =	shalt  }
0x6b: {  	_ =	shalt  }
0x6c: {  	_ =	shalt  }
0x6d: {  	_ =	shalt  }
0x6e: {  	_ =	shalt  }
0x6f: {  	_ =	shalt  }
0x70: {  	_ =	shalt  }
0x71: {  	_ =	shalt  }
0x72: {  	_ =	shalt  }
0x73: {  	_ =	shalt  }
0x74: {  	_ =	shalt  }
0x75: {  	_ =	shalt  }
0x76: {  	_ =	shalt  }
0x77: {  	_ =	shalt  }
0x78: {  	_ =	shalt  }
0x79: {  	_ =	shalt  }
0x7a: {  	_ =	shalt  }
0x7b: {  	_ =	shalt  }
0x7c: {  	_ =	shalt  }
0x7d: {  	_ =	shalt  }
0x7e: {  	_ =	shalt  }
0x7f: {  	_ =	shalt  }
0x80: {  	_ =	shalt  }
0x81: {  	_ =	shalt  }
0x82: {  	_ =	shalt  }
0x83: {  	_ =	shalt  }
0x84: {  	_ =	shalt  }
0x85: {  	_ =	shalt  }
0x86: {  	_ =	shalt  }
0x87: {  	_ =	shalt  }
.Lfunc_end0:
.L_simem_size_0:
called_computation.1_lowered:
.L_overlay_start_0:
0x88: {  	s2 =	sld [smem:$0x3FD9]  }
0x89: {  	s3 =	sld [smem:$0x3FFE];
	_ =	sdelay $0x1  }
0x8a: {  	s1 =	srdreg.scid  }
0x8b: {  	s0 =	sand.u32 $0x1, s1  }
0x8c: {  	s17 =	sshll.u32 s0, $0xA;
	s2 =	sadd.s32 s3, s2  }
0x8d: {  	s2 =	sadd.s32 s2, s17  }
0x8e: {  	[smem:$0x3FC6] =	sst s2  }
0x8f: {  	_ = 	snop  }
0x90: {  	s2 =	sld [smem:$0x3FC8]  }
0x91: {  	s18 =	sld [smem:$0x3FD0];
	(tm) =	ssettm $0x1  }
0x92: {  	s4 =	sld [smem:$0x3FFB];
	_ =	sdelay $0x3  }
0x93: {  	_ =	strace s4  }
0x94: {  	s4 =	sld [smem:$0x3FFC];
	_ =	sdelay $0x3  }
0x95: {  	_ =	strace s4  }
0x96: {  	s4 =	sld [smem:$0x3FFD];
	_ =	sdelay $0x3  }
0x97: {  	_ =	strace s4  }
0x98: {  	_ =	strace $0x8FFFFFFF  }
0x99: {  	s19 =	sld [smem:$0x3FDB];
	_ =	sdelay $0x1  }
0x9a: {  	s5 =	simm.s32 $_scs_section_size  }
0x9b: {  	s6 =	simm.s32 $_size__tile_overlayer_lowered;
	s7 =	simm.s32 $_tile_overlayer_lowered  }
0x9c: {  	s22 =	simm.s32 $0x1BFF;
	s21 =	sshll.u32 s7, $0x1;
	s4 =	sadd.s32 s5, s19  }
0x9d: {  	s8 =	simm.s32 $0x0;
	s20 =	sshll.u32 s6, $0x1;
	s6 =	sadd.s32 s21, s4  }
0x9e: {  	[timem:s8], [sflag:s22] =	dma.local [hbm:s6], s20  }
0x9f: {  	_ =	swait.ge [sflag:s22], s20  }
0xa0: {  	s5 =	ssub.s32 $0x0, s20;
	[sflag:s22] =	ssyncset.done $0x0  }
0xa1: {  	[sflag:s22] =	ssyncadd.s32 s5;
	_ =	sdelay $0x1  }
0xa2: {  	s23 =	simm.s32 $0x1B8B  }
0xa3: {  	_ =	swait.ge [sflag:s23], $0x1  }
0xa4: {  	[sflag:s23] =	ssyncset.done $0x0  }
0xa5: {  	s25 =	simm.s32 $0x1B8E;
	s24 =	sld [smem:$0x3FFE];
	[sflag:s23] =	ssyncadd.s32 $0xFFFFFFFF  }
0xa6: {  	s26 =	simm.s32 $execute0_lowered;
	[smem:$0x3FD2] =	sst s25  }
0xa7: {  	s6 =	sshll.u32 s26, $0x1;
	_ =	strace $0x80000046;
	[dreg:$0x1] =	wrdreg $0xFFFFFFFF  }
0xa8: {  	s28 =	simm.s32 $_size_execute0_lowered;
	s4 =	sadd.s32 s4, s6;
	[dreg:$0x0] =	wrdreg $0x0  }
0xa9: {  	s6 =	sshll.u32 s28, $0x1;
	[dreg:$0x2] =	wrdreg s4  }
0xaa: {  	[dreg:$0x3] =	wrdreg s6  }
0xab: {  	[dreg:$0x4] =	wrdreg $0xC0  }
0xac: {  	_ =	task [dreg:s8], $0x5FFFF  }
0xad: {  	[dreg:$0x1] =	wrdreg $0xFFFFFFFF  }
0xae: {  	[dreg:$0x0] =	wrdreg $0x60  }
0xaf: {  	[dreg:$0x2] =	wrdreg s24  }
0xb0: {  	[dreg:$0x3] =	wrdreg s2  }
0xb1: {  	[dreg:$0x4] =	wrdreg s18  }
0xb2: {  	[dreg:$0x5] =	wrdreg $0x159000  }
0xb3: {  	[dreg:$0x6] =	wrdreg $0x9  }
0xb4: {  	_ =	task.clear_ibuf [dreg:s8], $0x7FFFF;
	_ =	strace $0x90000046  }
0xb5: {  	s29 =	simm.s32 $0x9;
	_ =	strace $0x80000048  }
0xb6: {  	_ =	swait.ge [sflag:s29], $0x1  }
0xb7: {  	[sflag:s29] =	ssyncadd.s32 $0xFFFFFFFF  }
0xb8: {  	_ =	strace $0x90000048  }
0xb9: {  	_ =	sfence  }
0xba: {  	s30 =	sld [smem:$0x0];
	_ =	sdelay $0x2  }
0xbb: {  	s31 =	sshll.u32 s1, $0xD;
	s1 =	sshrl.u32 s1, $0x2  }
0xbc: {  	s3 =	sand.u32 $0x4000, s31;
	s1 =	sadd.s32 s1, s30  }
0xbd: {  	s0 =	sor.u32 s3, s0;
	s1 =	sshll.u32 s1, $0x11  }
0xbe: {  	s0 =	sor.u32 s1, s0  }
0xbf: {  	s0 =	sadd.s32 $0x8F2B, s0  }
0xc0: {  	[sflag:s0] =	ssyncadd.remote.s32 $0x1  }
0xc1: {  	_ =	sfence.sel $0xFFFF  }
0xc2: {  	[dreg:$0x0] =	wrdreg $0xFFFFFFFF;
	(pc) =	sbr.abs _section_cstart, $3  }
0xc3: {  	[dreg:$0x1] =	wrdreg $0xFFFFFFFF  }
0xc4: {  	_ =	task.clear_ibuf [dreg:s8], $0x2FFFF;
	_ =	strace $0x9FFFFFFF  }
0xc5: {  	(tm) =	ssettm $0x7FFFFFFF  }
tec
execute0_lowered:
.L_overlay_start_1:
0x0: {  	(tag) =	ssettag $0x1  }
0x1: {  	s0 =	rddreg [dreg:$0x0]  }
0x2: {  	s3 =	rddreg [dreg:$0x1]  }
0x3: {  	s4 =	rddreg [dreg:$0x2]  }
0x4: {  	s1 =	srdreg.scid;
	s2 =	rddreg [dreg:$0x3]  }
0x5: {  	s5 =	stileid.u32;
	s30 =	rddreg [dreg:$0x4]  }
0x6: {  	s10 =	simm.s32 $0x1900;
	s12 =	simm.s32 $0x1;
	s11 =	simm.s32 $0x2  }
0x7: {  	s21 =	simm.s32 $0xF00;
	p1 =	por $0x0, $0x0;
	s19 =	simm.s32 $0x1180  }
0x8: {  	s17 =	simm.s32 $0x1400;
	s15 =	simm.s32 $0x1680;
	s6 =	sand.u32 $0x1, s1  }
0x9: {  	s7 =	sshll.u32 s5, $0x1;
	s1 =	simm.s32 $0x0;
	s0 =	sadd.s32 $0x800, s0  }
0xa: {  	p0 =	sne.s32 s5, $0x0;
	s5 =	simm.s32 $0x3;
	s7 =	sor.u32 s6, s7  }
0xb: {  	[smem:$0x7FF] =	sst s1;
	s6 =	ssub.s32 $0x2, s6;
	s8 =	smul.u32 $0x320, s7  }
0xc: {  	s28 =	sshrl.u32 @!p0 s2, $0x3;
	_ =	strace $0x80000047;
	s9 =	smul.u32 $0x64000, s7  }
0xd: {  	[dreg:$0x5] =	wrdreg s0;
	s22 =	smul.u32 $0xC800, s7;
	s25 =	sshrl.u32 s6, $0x1  }
0xe: {  	s7 =	simm.s32 $0x4;
	s6 =	ssub.s32 s6, s25;
	s25 =	simm.s32 $0x500  }
0xf: {  	s3 =	sadd.s32 s3, s8;
	s23 =	sshrl.u32 s9, $0x3;
	s0 =	sadd.s32 s4, s22  }
0x10: {  	s29 =	smax.u32 s6, $0x1;
	s9 =	simm.s32 $0x280;
	s6 =	simm.s32 $0xB900  }
0x11: {  	s22 =	simm.s32 $0xC80;
	[dreg:$0x6] =	wrdreg s3;
	s31 =	sadd.s32 $0xFFFFFFFF, s29  }
0x12: {  	s24 =	sadd.s32 s4, s23;
	[dreg:$0x7] =	wrdreg s0;
	p2 =	sne.s32 s31, $0x0  }
.Ltmp0:
0x13: {  	s23 =	simm.s32 $0xA00;
	s0 =	rddreg [dreg:$0x5];
	(pc) =	sbr.rel @!p2 .LBB2_5-.Ltmp0, $4  }
0x14: {  	s26 =	sadd.s32 $0x1400, s24;
	s20 =	sadd.s32 $0x2800, s24;
	s18 =	sadd.s32 $0x3C00, s24  }
0x15: {  	s16 =	sadd.s32 $0x5000, s24;
	s14 =	sadd.s32 $0x6400, s24;
	s13 =	sadd.s32 $0x7800, s24  }
0x16: {  	s8 =	sadd.s32 $0x8C00, s24;
	s4 =	sadd.s32 $0xA000, s24;
	s3 =	sadd.s32 $0xB400, s24  }
0x17: {  	s24 =	simm.s32 $0x780;
	[dreg:$0x8] =	wrdreg s26;
	s26 =	simm.s32 $0x5  }
0x18: {  	s29 =	simm.s32 @!p0 $0x1C05;
	s30 =	simm.s32 @!p0 $0x5  }
0x19: {  	[spmem:s28], [sflag:s29] =	dma.local @!p0 [hbm:s0], $0x200  }
0x1a: {  	_ =	swait.ge @!p0 [sflag:s30], $0x200  }
0x1b: {  	[sflag:s30] =	ssyncset.done @!p0 $0x0  }
0x1c: {  	s0 =	rddreg [dreg:$0x6];
	[sflag:s30] =	ssyncadd.s32 @!p0 $0xFFFFFE00  }
0x1d: {  	[tilespmem:s1], [sflag:$0x5] =	stream.linear.gather [hbm4b:s0+s1], $0x1900, $0x38;
	[tilespmem:$0x15A00] =	vst v63  }
0x1e: {  	_ =	swait.ge [sflag:s26], $0x1900  }
0x1f: {  	[sflag:s26] =	ssyncset.done $0x0  }
0x20: {  	[sflag:s26] =	ssyncadd.s32 $0xFFFFE700  }
0x21: {  	[bflag:$0x0] =	sbarrier.arrive $0xFFFF  }
0x22: {  	[tilespmem:s10], [sflag:$0x1] =	stream.indirect.gather [spmem:s2], $0x40, s1, s9, $0xb8;
	[tilespmem:$0x15A00] =	vst v63  }
0x23: {  	_ =	swait.ge [sflag:s12], $0xA000  }
0x24: {  	[sflag:s12] =	ssyncset.done $0x0  }
0x25: {  	[sflag:s12] =	ssyncadd.s32 $0xFFFF6000  }
0x26: {  	[tilespmem:s6], [sflag:$0x2] =	stream.indirect.gather [spmem:s2], $0x40, s9, s9, $0xb8;
	[tilespmem:$0x15A00] =	vst v63  }
0x27: {  	s0 =	rddreg [dreg:$0x7]  }
0x28: {  	[hbm4b:s0+s1] =	stream.linear.scatter [tilespmem:s10], [sflag:$0x3], $0xA000, $0x38;
	[tilespmem:$0x15A00] =	vst v63  }
0x29: {  	_ =	swait.ge [sflag:s11], $0xA000  }
0x2a: {  	[sflag:s11] =	ssyncset.done $0x0  }
0x2b: {  	[sflag:s11] =	ssyncadd.s32 $0xFFFF6000  }
0x2c: {  	_ =	swait.ge [sflag:s5], $0xA000  }
0x2d: {  	[sflag:s5] =	ssyncset.done $0x0  }
0x2e: {  	[sflag:s5] =	ssyncadd.s32 $0xFFFF6000  }
0x2f: {  	[tilespmem:s10], [sflag:$0x1] =	stream.indirect.gather [spmem:s2], $0x40, s25, s9, $0xb8;
	[tilespmem:$0x15A00] =	vst v63  }
0x30: {  	s0 =	rddreg [dreg:$0x8]  }
0x31: {  	[hbm4b:s0+s1] =	stream.linear.scatter [tilespmem:s6], [sflag:$0x4], $0xA000, $0x38;
	[tilespmem:$0x15A00] =	vst v63  }
0x32: {  	_ =	swait.ge [sflag:s12], $0xA000  }
0x33: {  	[sflag:s12] =	ssyncset.done $0x0  }
0x34: {  	[sflag:s12] =	ssyncadd.s32 $0xFFFF6000  }
0x35: {  	_ =	swait.ge [sflag:s7], $0xA000  }
0x36: {  	[sflag:s7] =	ssyncset.done $0x0  }
0x37: {  	[sflag:s7] =	ssyncadd.s32 $0xFFFF6000  }
0x38: {  	[tilespmem:s6], [sflag:$0x2] =	stream.indirect.gather [spmem:s2], $0x40, s24, s9, $0xb8;
	[tilespmem:$0x15A00] =	vst v63  }
0x39: {  	_ = 	snop  }
0x3a: {  	[hbm4b:s20+s1] =	stream.linear.scatter [tilespmem:s10], [sflag:$0x3], $0xA000, $0x38;
	[tilespmem:$0x15A00] =	vst v63  }
0x3b: {  	_ =	swait.ge [sflag:s11], $0xA000  }
0x3c: {  	[sflag:s11] =	ssyncset.done $0x0  }
0x3d: {  	[sflag:s11] =	ssyncadd.s32 $0xFFFF6000  }
0x3e: {  	_ =	swait.ge [sflag:s5], $0xA000  }
0x3f: {  	[sflag:s5] =	ssyncset.done $0x0  }
0x40: {  	[sflag:s5] =	ssyncadd.s32 $0xFFFF6000  }
0x41: {  	[tilespmem:s10], [sflag:$0x1] =	stream.indirect.gather [spmem:s2], $0x40, s23, s9, $0xb8;
	[tilespmem:$0x15A00] =	vst v63  }
0x42: {  	_ = 	snop  }
0x43: {  	[hbm4b:s18+s1] =	stream.linear.scatter [tilespmem:s6], [sflag:$0x4], $0xA000, $0x38;
	[tilespmem:$0x15A00] =	vst v63  }
0x44: {  	_ =	swait.ge [sflag:s12], $0xA000  }
0x45: {  	[sflag:s12] =	ssyncset.done $0x0  }
0x46: {  	[sflag:s12] =	ssyncadd.s32 $0xFFFF6000  }
0x47: {  	_ =	swait.ge [sflag:s7], $0xA000  }
0x48: {  	[sflag:s7] =	ssyncset.done $0x0  }
0x49: {  	[sflag:s7] =	ssyncadd.s32 $0xFFFF6000  }
0x4a: {  	[tilespmem:s6], [sflag:$0x2] =	stream.indirect.gather [spmem:s2], $0x40, s22, s9, $0xb8;
	[tilespmem:$0x15A00] =	vst v63  }
0x4b: {  	_ = 	snop  }
0x4c: {  	[hbm4b:s16+s1] =	stream.linear.scatter [tilespmem:s10], [sflag:$0x3], $0xA000, $0x38;
	[tilespmem:$0x15A00] =	vst v63  }
0x4d: {  	_ =	swait.ge [sflag:s11], $0xA000  }
0x4e: {  	[sflag:s11] =	ssyncset.done $0x0  }
0x4f: {  	[sflag:s11] =	ssyncadd.s32 $0xFFFF6000  }
0x50: {  	_ =	swait.ge [sflag:s5], $0xA000  }
0x51: {  	[sflag:s5] =	ssyncset.done $0x0  }
0x52: {  	[sflag:s5] =	ssyncadd.s32 $0xFFFF6000  }
0x53: {  	[tilespmem:s10], [sflag:$0x1] =	stream.indirect.gather [spmem:s2], $0x40, s21, s9, $0xb8;
	[tilespmem:$0x15A00] =	vst v63  }
0x54: {  	_ = 	snop  }
0x55: {  	[hbm4b:s14+s1] =	stream.linear.scatter [tilespmem:s6], [sflag:$0x4], $0xA000, $0x38;
	[tilespmem:$0x15A00] =	vst v63  }
0x56: {  	_ =	swait.ge [sflag:s12], $0xA000  }
0x57: {  	[sflag:s12] =	ssyncset.done $0x0  }
0x58: {  	[sflag:s12] =	ssyncadd.s32 $0xFFFF6000  }
0x59: {  	_ =	swait.ge [sflag:s7], $0xA000  }
0x5a: {  	[sflag:s7] =	ssyncset.done $0x0  }
0x5b: {  	[sflag:s7] =	ssyncadd.s32 $0xFFFF6000  }
0x5c: {  	[tilespmem:s6], [sflag:$0x2] =	stream.indirect.gather [spmem:s2], $0x40, s19, s9, $0xb8;
	[tilespmem:$0x15A00] =	vst v63  }
0x5d: {  	_ = 	snop  }
0x5e: {  	[hbm4b:s13+s1] =	stream.linear.scatter [tilespmem:s10], [sflag:$0x3], $0xA000, $0x38;
	[tilespmem:$0x15A00] =	vst v63  }
0x5f: {  	_ =	swait.ge [sflag:s11], $0xA000  }
0x60: {  	[sflag:s11] =	ssyncset.done $0x0  }
0x61: {  	[sflag:s11] =	ssyncadd.s32 $0xFFFF6000  }
0x62: {  	_ =	swait.ge [sflag:s5], $0xA000  }
0x63: {  	[sflag:s5] =	ssyncset.done $0x0  }
0x64: {  	[sflag:s5] =	ssyncadd.s32 $0xFFFF6000  }
0x65: {  	[tilespmem:s10], [sflag:$0x1] =	stream.indirect.gather [spmem:s2], $0x40, s17, s9, $0xb8;
	[tilespmem:$0x15A00] =	vst v63  }
0x66: {  	_ = 	snop  }
0x67: {  	[hbm4b:s8+s1] =	stream.linear.scatter [tilespmem:s6], [sflag:$0x4], $0xA000, $0x38;
	[tilespmem:$0x15A00] =	vst v63  }
0x68: {  	_ =	swait.ge [sflag:s12], $0xA000  }
0x69: {  	[sflag:s12] =	ssyncset.done $0x0  }
0x6a: {  	[sflag:s12] =	ssyncadd.s32 $0xFFFF6000  }
0x6b: {  	_ =	swait.ge [sflag:s7], $0xA000  }
0x6c: {  	[sflag:s7] =	ssyncset.done $0x0  }
0x6d: {  	[sflag:s7] =	ssyncadd.s32 $0xFFFF6000  }
0x6e: {  	[tilespmem:s6], [sflag:$0x2] =	stream.indirect.gather [spmem:s2], $0x40, s15, s9, $0xb8;
	[tilespmem:$0x15A00] =	vst v63  }
0x6f: {  	_ = 	snop  }
0x70: {  	[hbm4b:s4+s1] =	stream.linear.scatter [tilespmem:s10], [sflag:$0x3], $0xA000, $0x38;
	[tilespmem:$0x15A00] =	vst v63  }
0x71: {  	_ =	swait.ge [sflag:s11], $0xA000  }
0x72: {  	s31 =	sadd.s32 $0xFFFFFFFF, s31;
	[sflag:s11] =	ssyncset.done $0x0  }
0x73: {  	p2 =	sne.s32 s31, $0x0;
	[sflag:s11] =	ssyncadd.s32 $0xFFFF6000  }
0x74: {  	[hbm4b:s3+s1] =	stream.linear.scatter [tilespmem:s6], [sflag:$0x4], $0xA000, $0x38;
	[tilespmem:$0x15A00] =	vst v63  }
.Ltmp1:
0x75: {  	_ =	swait.ge [sflag:s7], $0xA000;
	(pc) =	sbr.rel @!p2 .LBB2_2-.Ltmp1, $4  }
0x76: {  	[sflag:s7] =	ssyncset.done $0x0  }
0x77: {  	[sflag:s7] =	ssyncadd.s32 $0xFFFF6000  }
0x78: {  	_ =	swait.ge [sflag:s5], $0xA000  }
0x79: {  	p1 =	por $0x1, $0x1;
	s0 =	rddreg [dreg:$0x5];
	[sflag:s5] =	ssyncset.done $0x0  }
.LBB2_3:
0x7a: {  	[sflag:s5] =	ssyncadd.s32 $0xFFFF6000  }
0x7b: {  	[spmem:s28], [sflag:s29] =	dma.local @!p0 [hbm:s0], $0x200  }
0x7c: {  	_ =	swait.ge @!p0 [sflag:s30], $0x200  }
0x7d: {  	[sflag:s30] =	ssyncset.done @!p0 $0x0  }
0x7e: {  	s0 =	rddreg [dreg:$0x6];
	[sflag:s30] =	ssyncadd.s32 @!p0 $0xFFFFFE00  }
0x7f: {  	[tilespmem:s1], [sflag:$0x5] =	stream.linear.gather [hbm4b:s0+s1], $0x1900, $0x38;
	[tilespmem:$0x15A00] =	vst v63  }
0x80: {  	_ =	swait.ge [sflag:s26], $0x1900  }
0x81: {  	[sflag:s26] =	ssyncset.done $0x0  }
0x82: {  	[sflag:s26] =	ssyncadd.s32 $0xFFFFE700  }
0x83: {  	[bflag:$0x0] =	sbarrier.arrive $0xFFFF  }
0x84: {  	[tilespmem:s10], [sflag:$0x1] =	stream.indirect.gather [spmem:s2], $0x40, s1, s9, $0xb8;
	[tilespmem:$0x15A00] =	vst v63  }
0x85: {  	_ =	swait.ge [sflag:s12], $0xA000  }
0x86: {  	[sflag:s12] =	ssyncset.done $0x0  }
0x87: {  	[sflag:s12] =	ssyncadd.s32 $0xFFFF6000  }
0x88: {  	[tilespmem:s6], [sflag:$0x2] =	stream.indirect.gather [spmem:s2], $0x40, s9, s9, $0xb8;
	[tilespmem:$0x15A00] =	vst v63  }
0x89: {  	s0 =	rddreg [dreg:$0x7]  }
0x8a: {  	[hbm4b:s0+s1] =	stream.linear.scatter [tilespmem:s10], [sflag:$0x3], $0xA000, $0x38;
	[tilespmem:$0x15A00] =	vst v63  }
0x8b: {  	_ =	swait.ge [sflag:s11], $0xA000  }
0x8c: {  	[sflag:s11] =	ssyncset.done $0x0  }
0x8d: {  	[sflag:s11] =	ssyncadd.s32 $0xFFFF6000  }
0x8e: {  	_ =	swait.ge [sflag:s5], $0xA000  }
0x8f: {  	[sflag:s5] =	ssyncset.done $0x0  }
0x90: {  	[sflag:s5] =	ssyncadd.s32 $0xFFFF6000  }
0x91: {  	[tilespmem:s10], [sflag:$0x1] =	stream.indirect.gather [spmem:s2], $0x40, s25, s9, $0xb8;
	[tilespmem:$0x15A00] =	vst v63  }
0x92: {  	s0 =	rddreg [dreg:$0x8]  }
0x93: {  	[hbm4b:s0+s1] =	stream.linear.scatter [tilespmem:s6], [sflag:$0x4], $0xA000, $0x38;
	[tilespmem:$0x15A00] =	vst v63  }
0x94: {  	_ =	swait.ge [sflag:s12], $0xA000  }
0x95: {  	[sflag:s12] =	ssyncset.done $0x0  }
0x96: {  	[sflag:s12] =	ssyncadd.s32 $0xFFFF6000  }
0x97: {  	_ =	swait.ge [sflag:s7], $0xA000  }
0x98: {  	[sflag:s7] =	ssyncset.done $0x0  }
0x99: {  	[sflag:s7] =	ssyncadd.s32 $0xFFFF6000  }
0x9a: {  	[tilespmem:s6], [sflag:$0x2] =	stream.indirect.gather [spmem:s2], $0x40, s24, s9, $0xb8;
	[tilespmem:$0x15A00] =	vst v63  }
0x9b: {  	_ = 	snop  }
0x9c: {  	[hbm4b:s20+s1] =	stream.linear.scatter [tilespmem:s10], [sflag:$0x3], $0xA000, $0x38;
	[tilespmem:$0x15A00] =	vst v63  }
0x9d: {  	_ =	swait.ge [sflag:s11], $0xA000  }
0x9e: {  	[sflag:s11] =	ssyncset.done $0x0  }
0x9f: {  	[sflag:s11] =	ssyncadd.s32 $0xFFFF6000  }
0xa0: {  	_ =	swait.ge [sflag:s5], $0xA000  }
0xa1: {  	[sflag:s5] =	ssyncset.done $0x0  }
0xa2: {  	[sflag:s5] =	ssyncadd.s32 $0xFFFF6000  }
0xa3: {  	[tilespmem:s10], [sflag:$0x1] =	stream.indirect.gather [spmem:s2], $0x40, s23, s9, $0xb8;
	[tilespmem:$0x15A00] =	vst v63  }
0xa4: {  	_ = 	snop  }
0xa5: {  	[hbm4b:s18+s1] =	stream.linear.scatter [tilespmem:s6], [sflag:$0x4], $0xA000, $0x38;
	[tilespmem:$0x15A00] =	vst v63  }
0xa6: {  	_ =	swait.ge [sflag:s12], $0xA000  }
0xa7: {  	[sflag:s12] =	ssyncset.done $0x0  }
0xa8: {  	[sflag:s12] =	ssyncadd.s32 $0xFFFF6000  }
0xa9: {  	_ =	swait.ge [sflag:s7], $0xA000  }
0xaa: {  	[sflag:s7] =	ssyncset.done $0x0  }
0xab: {  	[sflag:s7] =	ssyncadd.s32 $0xFFFF6000  }
0xac: {  	[tilespmem:s6], [sflag:$0x2] =	stream.indirect.gather [spmem:s2], $0x40, s22, s9, $0xb8;
	[tilespmem:$0x15A00] =	vst v63  }
0xad: {  	_ = 	snop  }
0xae: {  	[hbm4b:s16+s1] =	stream.linear.scatter [tilespmem:s10], [sflag:$0x3], $0xA000, $0x38;
	[tilespmem:$0x15A00] =	vst v63  }
0xaf: {  	_ =	swait.ge [sflag:s11], $0xA000  }
0xb0: {  	[sflag:s11] =	ssyncset.done $0x0  }
0xb1: {  	[sflag:s11] =	ssyncadd.s32 $0xFFFF6000  }
0xb2: {  	_ =	swait.ge [sflag:s5], $0xA000  }
0xb3: {  	[sflag:s5] =	ssyncset.done $0x0  }
0xb4: {  	[sflag:s5] =	ssyncadd.s32 $0xFFFF6000  }
0xb5: {  	[tilespmem:s10], [sflag:$0x1] =	stream.indirect.gather [spmem:s2], $0x40, s21, s9, $0xb8;
	[tilespmem:$0x15A00] =	vst v63  }
0xb6: {  	_ = 	snop  }
0xb7: {  	[hbm4b:s14+s1] =	stream.linear.scatter [tilespmem:s6], [sflag:$0x4], $0xA000, $0x38;
	[tilespmem:$0x15A00] =	vst v63  }
0xb8: {  	_ =	swait.ge [sflag:s12], $0xA000  }
0xb9: {  	[sflag:s12] =	ssyncset.done $0x0  }
0xba: {  	[sflag:s12] =	ssyncadd.s32 $0xFFFF6000  }
0xbb: {  	_ =	swait.ge [sflag:s7], $0xA000  }
0xbc: {  	[sflag:s7] =	ssyncset.done $0x0  }
0xbd: {  	[sflag:s7] =	ssyncadd.s32 $0xFFFF6000  }
0xbe: {  	[tilespmem:s6], [sflag:$0x2] =	stream.indirect.gather [spmem:s2], $0x40, s19, s9, $0xb8;
	[tilespmem:$0x15A00] =	vst v63  }
0xbf: {  	_ = 	snop  }
0xc0: {  	[hbm4b:s13+s1] =	stream.linear.scatter [tilespmem:s10], [sflag:$0x3], $0xA000, $0x38;
	[tilespmem:$0x15A00] =	vst v63  }
0xc1: {  	_ =	swait.ge [sflag:s11], $0xA000  }
0xc2: {  	[sflag:s11] =	ssyncset.done $0x0  }
0xc3: {  	[sflag:s11] =	ssyncadd.s32 $0xFFFF6000  }
0xc4: {  	_ =	swait.ge [sflag:s5], $0xA000  }
0xc5: {  	[sflag:s5] =	ssyncset.done $0x0  }
0xc6: {  	[sflag:s5] =	ssyncadd.s32 $0xFFFF6000  }
0xc7: {  	[tilespmem:s10], [sflag:$0x1] =	stream.indirect.gather [spmem:s2], $0x40, s17, s9, $0xb8;
	[tilespmem:$0x15A00] =	vst v63  }
0xc8: {  	_ = 	snop  }
0xc9: {  	[hbm4b:s8+s1] =	stream.linear.scatter [tilespmem:s6], [sflag:$0x4], $0xA000, $0x38;
	[tilespmem:$0x15A00] =	vst v63  }
0xca: {  	_ =	swait.ge [sflag:s12], $0xA000  }
0xcb: {  	[sflag:s12] =	ssyncset.done $0x0  }
0xcc: {  	[sflag:s12] =	ssyncadd.s32 $0xFFFF6000  }
0xcd: {  	_ =	swait.ge [sflag:s7], $0xA000  }
0xce: {  	[sflag:s7] =	ssyncset.done $0x0  }
0xcf: {  	[sflag:s7] =	ssyncadd.s32 $0xFFFF6000  }
0xd0: {  	[tilespmem:s6], [sflag:$0x2] =	stream.indirect.gather [spmem:s2], $0x40, s15, s9, $0xb8;
	[tilespmem:$0x15A00] =	vst v63  }
0xd1: {  	_ = 	snop  }
0xd2: {  	[hbm4b:s4+s1] =	stream.linear.scatter [tilespmem:s10], [sflag:$0x3], $0xA000, $0x38;
	[tilespmem:$0x15A00] =	vst v63  }
0xd3: {  	_ =	swait.ge [sflag:s11], $0xA000  }
0xd4: {  	s31 =	sadd.s32 $0xFFFFFFFF, s31;
	[sflag:s11] =	ssyncset.done $0x0  }
0xd5: {  	p2 =	sne.s32 s31, $0x0;
	[sflag:s11] =	ssyncadd.s32 $0xFFFF6000  }
0xd6: {  	[hbm4b:s3+s1] =	stream.linear.scatter [tilespmem:s6], [sflag:$0x4], $0xA000, $0x38;
	[tilespmem:$0x15A00] =	vst v63  }
.Ltmp2:
0xd7: {  	_ =	swait.ge [sflag:s7], $0xA000;
	(pc) =	sbr.rel @p2 .LBB2_3-.Ltmp2, $4  }
0xd8: {  	[sflag:s7] =	ssyncset.done $0x0  }
0xd9: {  	[sflag:s7] =	ssyncadd.s32 $0xFFFF6000  }
0xda: {  	_ =	swait.ge [sflag:s5], $0xA000  }
0xdb: {  	s0 =	rddreg [dreg:$0x5];
	[sflag:s5] =	ssyncset.done $0x0  }
0xdc: {  	s30 =	rddreg [dreg:$0x4]  }
.LBB2_5:
0xdd: {  	[sflag:s5] =	ssyncadd.s32 @p1 $0xFFFF6000;
	s29 =	simm.s32 @!p0 $0x1C05  }
0xde: {  	[spmem:s28], [sflag:s29] =	dma.local @!p0 [hbm:s0], $0x200  }
0xdf: {  	s0 =	simm.s32 @!p0 $0x5  }
0xe0: {  	_ =	swait.ge @!p0 [sflag:s0], $0x200  }
0xe1: {  	[sflag:s0] =	ssyncset.done @!p0 $0x0  }
0xe2: {  	s31 =	rddreg [dreg:$0x6];
	[sflag:s0] =	ssyncadd.s32 @!p0 $0xFFFFFE00  }
0xe3: {  	[tilespmem:s1], [sflag:$0x5] =	stream.linear.gather [hbm4b:s31+s1], $0x1900, $0x38;
	[tilespmem:$0x15A00] =	vst v63  }
0xe4: {  	_ =	swait.ge [sflag:s26], $0x1900  }
0xe5: {  	[sflag:s26] =	ssyncset.done $0x0  }
0xe6: {  	[sflag:s26] =	ssyncadd.s32 $0xFFFFE700  }
0xe7: {  	[bflag:$0x0] =	sbarrier.arrive $0xFFFF  }
0xe8: {  	[tilespmem:s10], [sflag:$0x1] =	stream.indirect.gather [spmem:s2], $0x40, s1, s9, $0xb8;
	[tilespmem:$0x15A00] =	vst v63  }
0xe9: {  	_ =	swait.ge [sflag:s12], $0xA000  }
0xea: {  	[sflag:s12] =	ssyncset.done $0x0  }
0xeb: {  	[sflag:s12] =	ssyncadd.s32 $0xFFFF6000  }
0xec: {  	[tilespmem:s6], [sflag:$0x2] =	stream.indirect.gather [spmem:s2], $0x40, s9, s9, $0xb8;
	[tilespmem:$0x15A00] =	vst v63  }
0xed: {  	s29 =	rddreg [dreg:$0x7]  }
0xee: {  	[hbm4b:s29+s1] =	stream.linear.scatter [tilespmem:s10], [sflag:$0x3], $0xA000, $0x38;
	[tilespmem:$0x15A00] =	vst v63  }
0xef: {  	_ =	swait.ge [sflag:s11], $0xA000  }
0xf0: {  	[sflag:s11] =	ssyncset.done $0x0  }
0xf1: {  	[sflag:s11] =	ssyncadd.s32 $0xFFFF6000  }
0xf2: {  	_ =	swait.ge [sflag:s5], $0xA000  }
0xf3: {  	[sflag:s5] =	ssyncset.done $0x0  }
0xf4: {  	[sflag:s5] =	ssyncadd.s32 $0xFFFF6000  }
0xf5: {  	[tilespmem:s10], [sflag:$0x1] =	stream.indirect.gather [spmem:s2], $0x40, s25, s9, $0xb8;
	[tilespmem:$0x15A00] =	vst v63  }
0xf6: {  	s31 =	rddreg [dreg:$0x8]  }
0xf7: {  	[hbm4b:s31+s1] =	stream.linear.scatter [tilespmem:s6], [sflag:$0x4], $0xA000, $0x38;
	[tilespmem:$0x15A00] =	vst v63  }
0xf8: {  	_ =	swait.ge [sflag:s12], $0xA000  }
0xf9: {  	[sflag:s12] =	ssyncset.done $0x0  }
0xfa: {  	[sflag:s12] =	ssyncadd.s32 $0xFFFF6000  }
0xfb: {  	_ =	swait.ge [sflag:s7], $0xA000  }
0xfc: {  	[sflag:s7] =	ssyncset.done $0x0  }
0xfd: {  	[sflag:s7] =	ssyncadd.s32 $0xFFFF6000  }
0xfe: {  	[tilespmem:s6], [sflag:$0x2] =	stream.indirect.gather [spmem:s2], $0x40, s24, s9, $0xb8;
	[tilespmem:$0x15A00] =	vst v63  }
0xff: {  	_ = 	snop  }
0x100: {  	[hbm4b:s20+s1] =	stream.linear.scatter [tilespmem:s10], [sflag:$0x3], $0xA000, $0x38;
	[tilespmem:$0x15A00] =	vst v63  }
0x101: {  	_ =	swait.ge [sflag:s11], $0xA000  }
0x102: {  	[sflag:s11] =	ssyncset.done $0x0  }
0x103: {  	[sflag:s11] =	ssyncadd.s32 $0xFFFF6000  }
0x104: {  	_ =	swait.ge [sflag:s5], $0xA000  }
0x105: {  	[sflag:s5] =	ssyncset.done $0x0  }
0x106: {  	[sflag:s5] =	ssyncadd.s32 $0xFFFF6000  }
0x107: {  	[tilespmem:s10], [sflag:$0x1] =	stream.indirect.gather [spmem:s2], $0x40, s23, s9, $0xb8;
	[tilespmem:$0x15A00] =	vst v63  }
0x108: {  	_ = 	snop  }
0x109: {  	[hbm4b:s18+s1] =	stream.linear.scatter [tilespmem:s6], [sflag:$0x4], $0xA000, $0x38;
	[tilespmem:$0x15A00] =	vst v63  }
0x10a: {  	_ =	swait.ge [sflag:s12], $0xA000  }
0x10b: {  	[sflag:s12] =	ssyncset.done $0x0  }
0x10c: {  	[sflag:s12] =	ssyncadd.s32 $0xFFFF6000  }
0x10d: {  	_ =	swait.ge [sflag:s7], $0xA000  }
0x10e: {  	[sflag:s7] =	ssyncset.done $0x0  }
0x10f: {  	[sflag:s7] =	ssyncadd.s32 $0xFFFF6000  }
0x110: {  	[tilespmem:s6], [sflag:$0x2] =	stream.indirect.gather [spmem:s2], $0x40, s22, s9, $0xb8;
	[tilespmem:$0x15A00] =	vst v63  }
0x111: {  	_ = 	snop  }
0x112: {  	[hbm4b:s16+s1] =	stream.linear.scatter [tilespmem:s10], [sflag:$0x3], $0xA000, $0x38;
	[tilespmem:$0x15A00] =	vst v63  }
0x113: {  	_ =	swait.ge [sflag:s11], $0xA000  }
0x114: {  	[sflag:s11] =	ssyncset.done $0x0  }
0x115: {  	[sflag:s11] =	ssyncadd.s32 $0xFFFF6000  }
0x116: {  	_ =	swait.ge [sflag:s5], $0xA000  }
0x117: {  	[sflag:s5] =	ssyncset.done $0x0  }
0x118: {  	[sflag:s5] =	ssyncadd.s32 $0xFFFF6000  }
0x119: {  	[tilespmem:s10], [sflag:$0x1] =	stream.indirect.gather [spmem:s2], $0x40, s21, s9, $0xb8;
	[tilespmem:$0x15A00] =	vst v63  }
0x11a: {  	_ = 	snop  }
0x11b: {  	[hbm4b:s14+s1] =	stream.linear.scatter [tilespmem:s6], [sflag:$0x4], $0xA000, $0x38;
	[tilespmem:$0x15A00] =	vst v63  }
0x11c: {  	_ =	swait.ge [sflag:s12], $0xA000  }
0x11d: {  	[sflag:s12] =	ssyncset.done $0x0  }
0x11e: {  	[sflag:s12] =	ssyncadd.s32 $0xFFFF6000  }
0x11f: {  	_ =	swait.ge [sflag:s7], $0xA000  }
0x120: {  	[sflag:s7] =	ssyncset.done $0x0  }
0x121: {  	[sflag:s7] =	ssyncadd.s32 $0xFFFF6000  }
0x122: {  	[tilespmem:s6], [sflag:$0x2] =	stream.indirect.gather [spmem:s2], $0x40, s19, s9, $0xb8;
	[tilespmem:$0x15A00] =	vst v63  }
0x123: {  	_ = 	snop  }
0x124: {  	[hbm4b:s13+s1] =	stream.linear.scatter [tilespmem:s10], [sflag:$0x3], $0xA000, $0x38;
	[tilespmem:$0x15A00] =	vst v63  }
0x125: {  	_ =	swait.ge [sflag:s11], $0xA000  }
0x126: {  	[sflag:s11] =	ssyncset.done $0x0  }
0x127: {  	[sflag:s11] =	ssyncadd.s32 $0xFFFF6000  }
0x128: {  	_ =	swait.ge [sflag:s5], $0xA000  }
0x129: {  	[sflag:s5] =	ssyncset.done $0x0  }
0x12a: {  	[sflag:s5] =	ssyncadd.s32 $0xFFFF6000  }
0x12b: {  	[tilespmem:s10], [sflag:$0x1] =	stream.indirect.gather [spmem:s2], $0x40, s17, s9, $0xb8;
	[tilespmem:$0x15A00] =	vst v63  }
0x12c: {  	_ = 	snop  }
0x12d: {  	[hbm4b:s8+s1] =	stream.linear.scatter [tilespmem:s6], [sflag:$0x4], $0xA000, $0x38;
	[tilespmem:$0x15A00] =	vst v63  }
0x12e: {  	_ =	swait.ge [sflag:s12], $0xA000  }
0x12f: {  	[sflag:s12] =	ssyncset.done $0x0  }
0x130: {  	[sflag:s12] =	ssyncadd.s32 $0xFFFF6000  }
0x131: {  	_ =	swait.ge [sflag:s7], $0xA000  }
0x132: {  	[sflag:s7] =	ssyncset.done $0x0  }
0x133: {  	[sflag:s7] =	ssyncadd.s32 $0xFFFF6000  }
0x134: {  	[tilespmem:s6], [sflag:$0x2] =	stream.indirect.gather [spmem:s2], $0x40, s15, s9, $0xb8;
	[tilespmem:$0x15A00] =	vst v63  }
0x135: {  	_ = 	snop  }
0x136: {  	[hbm4b:s4+s1] =	stream.linear.scatter [tilespmem:s10], [sflag:$0x3], $0xA000, $0x38;
	[tilespmem:$0x15A00] =	vst v63  }
0x137: {  	_ =	swait.ge [sflag:s11], $0xA000  }
0x138: {  	[sflag:s11] =	ssyncset.done $0x0  }
0x139: {  	[sflag:s11] =	ssyncadd.s32 $0xFFFF6000  }
0x13a: {  	[hbm4b:s3+s1] =	stream.linear.scatter [tilespmem:s6], [sflag:$0x4], $0xA000, $0x38;
	[tilespmem:$0x15A00] =	vst v63  }
0x13b: {  	_ =	swait.ge [sflag:s7], $0xA000  }
0x13c: {  	[sflag:s7] =	ssyncset.done $0x0  }
0x13d: {  	[sflag:s7] =	ssyncadd.s32 $0xFFFF6000  }
0x13e: {  	_ =	swait.ge [sflag:s5], $0xA000  }
0x13f: {  	[sflag:s5] =	ssyncset.done $0x0  }
0x140: {  	[sflag:s5] =	ssyncadd.s32 $0xFFFF6000  }
0x141: {  	_ =	sfence.sel $0x180000  }
0x142: {  	[bflag:$0x0] =	sbarrier.arrive $0xFFFF  }
0x143: {  	_ =	strace $0x90000047  }
0x144: {  	s0 =	sadd.s32 @!p0 $0x100000, s30;
	[bflag:$0x2] =	sbarrier.arrive $0xFFFF  }
0x145: {  	[sflag:s0] =	ssyncadd.tile.s32 @!p0 $0x1;
	_ =	shalt  }
.LBB2_2:
.Ltmp3:
0x146: {  	(pc) =	sbr.rel .LBB2_5-.Ltmp3, $2  }
0x147: {  	_ =	sdelay $0x2  }
0x148: {  	s30 =	rddreg [dreg:$0x4]  }
.Lfunc_end2:
_tile_overlayer_lowered:
.L_overlay_start_2:
0x149: {  	(tag) =	ssettag $0x2  }
0x14a: {  	s0 =	rddreg [dreg:$0x0];
	s2 =	stileid.u32  }
0x14b: {  	s1 =	rddreg [dreg:$0x1];
	p0 =	sne.s32 s2, $0x0  }
0x14c: {  	s3 =	rddreg [dreg:$0x2];
	[bflag:$0x3] =	sbarrier.arrive $0xFFFF;
	s2 =	simm.s32 @!p0 $0x1C05  }
0x14d: {  	[timem:s3], [sflag:s2] =	dma.local @!p0 [hbm:s0], s1  }
0x14e: {  	s0 =	simm.s32 @!p0 $0x5  }
0x14f: {  	_ =	swait.ge @!p0 [sflag:s0], s1  }
0x150: {  	s1 =	ssub.s32 @!p0 $0x0, s1;
	[sflag:s0] =	ssyncset.done @!p0 $0x0  }
0x151: {  	[sflag:s0] =	ssyncadd.s32 @!p0 s1  }
0x152: {  	[bflag:$0x3] =	sbarrier.arrive $0xFFFF  }
0x153: {  	_ =	shalt  }

// kernel: sparse-core-data-format-call.cloned.1.call-start
scs
called_computation_lowered:
.L_overlay_start_0:
0x0: {  	s2 =	sld [smem:$0x3FD9]  }
0x1: {  	s3 =	sld [smem:$0x3FFE];
	_ =	sdelay $0x1  }
0x2: {  	s1 =	srdreg.scid  }
0x3: {  	s0 =	sand.u32 $0x1, s1  }
0x4: {  	s18 =	sshll.u32 s0, $0xA;
	s2 =	sadd.s32 s3, s2  }
0x5: {  	s2 =	sadd.s32 s2, s18  }
0x6: {  	[smem:$0x3FC6] =	sst s2  }
0x7: {  	_ = 	snop  }
0x8: {  	s2 =	sld [smem:$0x3FD0];
	(tm) =	ssettm $0x1  }
0x9: {  	s19 =	sld [smem:$0x3FFB];
	_ =	sdelay $0x3  }
0xa: {  	_ =	strace s19  }
0xb: {  	s3 =	sld [smem:$0x3FFC];
	_ =	sdelay $0x3  }
0xc: {  	_ =	strace s3  }
0xd: {  	s3 =	sld [smem:$0x3FFD];
	_ =	sdelay $0x3  }
0xe: {  	_ =	strace s3  }
0xf: {  	_ =	strace $0x8FFFFFFF  }
0x10: {  	s20 =	sld [smem:$0x3FDB];
	_ =	sdelay $0x1  }
0x11: {  	s4 =	simm.s32 $_scs_section_size  }
0x12: {  	s5 =	simm.s32 $_size__tile_overlayer_lowered;
	s6 =	simm.s32 $_tile_overlayer_lowered  }
0x13: {  	s23 =	simm.s32 $0x1BFF;
	s22 =	sshll.u32 s6, $0x1;
	s3 =	sadd.s32 s4, s20  }
0x14: {  	s7 =	simm.s32 $0x0;
	s21 =	sshll.u32 s5, $0x1;
	s5 =	sadd.s32 s22, s3  }
0x15: {  	[timem:s7], [sflag:s23] =	dma.local [hbm:s5], s21  }
0x16: {  	_ =	swait.ge [sflag:s23], s21  }
0x17: {  	s4 =	ssub.s32 $0x0, s21;
	[sflag:s23] =	ssyncset.done $0x0  }
0x18: {  	[sflag:s23] =	ssyncadd.s32 s4;
	_ =	sdelay $0x1  }
0x19: {  	s24 =	simm.s32 $0x1B8B  }
0x1a: {  	_ =	swait.ge [sflag:s24], $0x1  }
0x1b: {  	[sflag:s24] =	ssyncset.done $0x0  }
0x1c: {  	s26 =	simm.s32 $0x1B8E;
	s25 =	sld [smem:$0x3FFE];
	[sflag:s24] =	ssyncadd.s32 $0xFFFFFFFF  }
0x1d: {  	s27 =	simm.s32 $execute0_lowered;
	[smem:$0x3FD2] =	sst s26  }
0x1e: {  	s5 =	sshll.u32 s27, $0x1;
	_ =	strace $0x80000049;
	[dreg:$0x1] =	wrdreg $0xFFFFFFFF  }
0x1f: {  	s28 =	simm.s32 $_size_execute0_lowered;
	s3 =	sadd.s32 s3, s5;
	[dreg:$0x0] =	wrdreg $0x0  }
0x20: {  	s5 =	sshll.u32 s28, $0x1;
	[dreg:$0x2] =	wrdreg s3  }
0x21: {  	[dreg:$0x3] =	wrdreg s5  }
0x22: {  	[dreg:$0x4] =	wrdreg $0xC0  }
0x23: {  	_ =	task [dreg:s7], $0x5FFFF  }
0x24: {  	[dreg:$0x1] =	wrdreg $0xFFFFFFFF  }
0x25: {  	[dreg:$0x0] =	wrdreg $0x60  }
0x26: {  	[dreg:$0x2] =	wrdreg s25  }
0x27: {  	[dreg:$0x3] =	wrdreg s2  }
0x28: {  	[dreg:$0x4] =	wrdreg $0x9  }
0x29: {  	_ =	task.clear_ibuf [dreg:s7], $0x5FFFF;
	_ =	strace $0x90000049  }
0x2a: {  	s29 =	simm.s32 $0x9;
	_ =	strace $0x8000004B  }
0x2b: {  	_ =	swait.ge [sflag:s29], $0x1  }
0x2c: {  	[sflag:s29] =	ssyncadd.s32 $0xFFFFFFFF  }
0x2d: {  	_ =	strace $0x9000004B  }
0x2e: {  	_ =	sfence  }
0x2f: {  	s30 =	sld [smem:$0x0];
	_ =	sdelay $0x2  }
0x30: {  	s31 =	sshll.u32 s1, $0xD;
	s1 =	sshrl.u32 s1, $0x2  }
0x31: {  	s3 =	sand.u32 $0x4000, s31;
	s1 =	sadd.s32 s1, s30  }
0x32: {  	s0 =	sor.u32 s3, s0;
	s1 =	sshll.u32 s1, $0x11  }
0x33: {  	s0 =	sor.u32 s1, s0  }
0x34: {  	s0 =	sadd.s32 $0x8F2B, s0  }
0x35: {  	[sflag:s0] =	ssyncadd.remote.s32 $0x1  }
0x36: {  	_ =	sfence.sel $0xFFFF  }
0x37: {  	[dreg:$0x0] =	wrdreg $0xFFFFFFFF;
	(pc) =	sbr.abs _section_cstart, $3  }
0x38: {  	[dreg:$0x1] =	wrdreg $0xFFFFFFFF  }
0x39: {  	_ =	task.clear_ibuf [dreg:s7], $0x2FFFF;
	_ =	strace $0x9FFFFFFF  }
0x3a: {  	(tm) =	ssettm $0x7FFFFFFF  }
0x3b: {  	_ =	shalt  }
tec
execute0_lowered:
.L_overlay_start_1:
0x0: {  	(tag) =	ssettag $0x1  }
0x1: {  	s0 =	srdreg.scid  }
0x2: {  	s1 =	sshll.u32 s0, $0x4  }
0x3: {  	s4 =	rddreg [dreg:$0x0];
	s0 =	stileid.u32;
	s1 =	sand.u32 $0x10, s1  }
0x4: {  	s2 =	rddreg [dreg:$0x1];
	s7 =	simm.s32 $0x1;
	s1 =	sor.u32 s0, s1  }
0x5: {  	s8 =	simm.s32 $0x2;
	s11 =	simm.s32 $0x0;
	s3 =	sshll.u32 s1, $0x7  }
0x6: {  	s10 =	simm.s32 $0x0;
	s4 =	sadd.s32 $0x800, s4;
	s6 =	ssub.s32 $0x32000, s3  }
.Ltmp0:
0x7: {  	s1 =	rddreg [dreg:$0x2];
	s5 =	sand.u32 $0xF80, s6;
	(pc) =	sbr.rel .LBB1_1-.Ltmp0, $4  }
0x8: {  	_ =	strace $0x8000004A;
	s9 =	smov.u32 s3;
	p0 =	sne.s32 s5, $0x0  }
0x9: {  	s6 =	sshrl.u32 s6, $0xC;
	s5 =	simm.s32 $0x1;
	s7 =	simm.s32 @!p0 $0x0  }
0xa: {  	[sflag:s5] =	ssyncpa.u1 $0x0;
	p0 =	por $0x0, $0x0;
	s6 =	sadd.s32 s7, s6  }
0xb: {  	[sflag:s8] =	ssyncpa.u1 $0x0;
	s8 =	simm.s32 $0x190000;
	s7 =	sadd.s32 $0x1, s6  }
.LBB1_4:
0xc: {  	s14 =	sshll.u32 s11, $0x3  }
0xd: {  	s30 =	sand.u32 $0x7F, s11;
	s15 =	sand.u32 $0xFFFFFC00, s14  }
0xe: {  	s11 =	sor.u32 s30, s15  }
0xf: {  	s15 =	smulhi.u32 $0x51EB851F, s11  }
0x10: {  	s14 =	smulhi.u32 $0x51EB851F, s14  }
0x11: {  	s15 =	sshrl.u32 s15, $0x10  }
0x12: {  	s14 =	sshrl.u32 s14, $0x10;
	s15 =	smul.u32 $0x32000, s15  }
0x13: {  	s14 =	sand.u32 $0x3F, s14  }
0x14: {  	s14 =	smul.u32 $0x6400, s14;
	s11 =	ssub.s32 s11, s15  }
0x15: {  	[tilespmem:s13+$0x810 ss:$0x81] =	vst.msk $0xffff, v2;
	s15 =	sand.u32 $0x7, s11  }
0x16: {  	[tilespmem:s13+$0x1020 ss:$0x81] =	vst.msk $0xffff, v0;
	s14 =	sadd.s32 s2, s14;
	s11 =	sshrl.u32 s11, $0x3;
	s15 =	sshll.u32 s15, $0x12  }
0x17: {  	[tilespmem:s13+$0x0 ss:$0x81] =	vst.msk $0xffff, v1;
	s11 =	sadd.s32 s11, s14;
	s31 =	sor.u32 $0x400, s15  }
0x18: {  	[hbm4b:s11+s31] =	stream.strided.scatter [tilespmem:s12], [sflag:$0x2], $0x2000, s8, s31, $0x20;
	[tilespmem:$0x8080] =	vst v63  }
.LBB1_5:
0x19: {  	s13 =	sadd.s32 $0x1000, s9  }
0x1a: {  	p2 =	sgt.s32 s13, $0x31FFF  }
0x1b: {  	s13 =	smov.u32 @p2 s3;
	p2 =	sne.s32 s10, s7  }
.Ltmp1:
0x1c: {  	p1 =	slt.u32 s10, $0x2;
	(pc) =	sbr.rel @!p2 .LBB1_6-.Ltmp1, $4  }
0x1d: {  	s12 =	simm.s32 @!p1 $0x2  }
0x1e: {  	s14 =	sadd.s32 $0x1, s10;
	_ =	swait.ge @!p1 [sflag:s12], $0x2000  }
0x1f: {  	s11 =	smov.u32 s9;
	p0 =	por !p0, !p0;
	[sflag:s12] =	ssyncset.done @!p1 $0x0  }
0x20: {  	s10 =	smov.u32 s14;
	s9 =	smov.u32 s13;
	[sflag:s12] =	ssyncadd.s32 @!p1 $0xFFFFE000  }
.LBB1_1:
0x21: {  	p1 =	sge.u32 s10, s6  }
0x22: {  	s12 =	sand.u32 @!p1 $0x1FFFFFF, s9  }
0x23: {  	s13 =	smulhi.u32 @!p1 $0x147AE15, s12;
	_ =	sdelay $0x1  }
0x24: {  	s13 =	sshrl.u32 @!p1 s13, $0xA  }
0x25: {  	s13 =	smul.u32 @!p1 $0x32000, s13;
	_ =	sdelay $0x1  }
0x26: {  	s31 =	sadd.s32 $0xFFFFFFFF, s10;
	s14 =	sxor.u32 @!p1 $0xFFFFFFFF, s10;
	s12 =	ssub.s32 @!p1 s12, s13  }
0x27: {  	s15 =	simm.s32 @!p1 $0x80;
	s14 =	sshll.u32 @!p1 s14, $0xD;
	s12 =	sshll.u32 @!p1 s12, $0x4  }
0x28: {  	s13 =	sand.u32 @!p1 $0x2000, s14;
	s14 =	simm.s32 @!p1 $0x40;
	s12 =	sadd.s32 @!p1 s4, s12  }
0x29: {  	[tilespmem:s13], [sflag:$0x1] =	stream.strided.gather @!p1 [hbm4b:s12+s14], $0x2000, s15, s14, $0x38;
	[tilespmem:$0x8080] =	vst v63  }
0x2a: {  	p1 =	sge.u32 s31, s6  }
.Ltmp2:
0x2b: {  	_ = 	snop;
	(pc) =	sbr.rel @p1 .LBB1_5-.Ltmp2, $1  }
0x2c: {  	_ =	sdelay $0x3  }
0x2d: {  	s12 =	simm.s32 $0x1  }
0x2e: {  	_ =	swait.ge [sflag:s5], $0x2000;
	s12 =	simm.s32 @!p0 $0x0  }
0x2f: {  	[sflag:s5] =	ssyncset.done $0x0;
	s13 =	sshll.u32 s12, $0xD  }
0x30: {  	[sflag:s5] =	ssyncadd.s32 $0xFFFFE000;
	s16 =	sor.u32 $0x20, s13  }
0x31: {  	s12 =	smul.u32 $0x8100, s12;
	v3 =	vld [tilespmem:s16+$0x10]  }
0x32: {  	s30 =	sand.u32 $0x1, s10;
	v2 =	vld [tilespmem:s16+$0xFFFFFFF0]  }
0x33: {  	s13 =	smul.u32 $0x8100, s30;
	s12 =	sshrl.u32 s12, $0x2;
	v0 =	vld [tilespmem:s16+$0x0]  }
0x34: {  	v1 =	vld [tilespmem:s16+$0xFFFFFFE0];
	s14 =	sor.u32 $0x4000, s12  }
0x35: {  	s31 =	sshrl.u32 s13, $0x2;
	s13 =	sadd.s32 $0x0, s14  }
0x36: {  	s15 =	simm.s32 $0x4;
	s16 =	sadd.s32 $0x40, s16;
	s12 =	sor.u32 $0x4000, s31;
	[tilespmem:s13+$0x1830 ss:$0x81] =	vst.msk $0xffff, v3  }
.LBB1_3:
0x37: {  	v3 =	vld [tilespmem:s16+$0x10];
	p1 =	sne.s32 s15, $0x1FC;
	[tilespmem:s13+$0x810 ss:$0x81] =	vst.msk $0xffff, v2;
	s17 =	smov.u32 s15;
	s15 =	sadd.s32 $0x4, s15  }
.Ltmp3:
0x38: {  	v2 =	vld [tilespmem:s16+$0xFFFFFFF0];
	[tilespmem:s13+$0x1020 ss:$0x81] =	vst.msk $0xffff, v0;
	(pc) =	sbr.rel @p1 .LBB1_3-.Ltmp3, $4  }
0x39: {  	v0 =	vld [tilespmem:s16+$0x0];
	[tilespmem:s13+$0x0 ss:$0x81] =	vst.msk $0xffff, v1  }
0x3a: {  	s13 =	sshra.s32 s17, $0x2;
	v1 =	vld [tilespmem:s16+$0xFFFFFFE0]  }
0x3b: {  	s13 =	sadd.s32 s13, s14  }
0x3c: {  	s16 =	sadd.s32 $0x40, s16;
	[tilespmem:s13+$0x1830 ss:$0x81] =	vst.msk $0xffff, v3  }
.Ltmp4:
0x3d: {  	_ = 	snop;
	(pc) =	sbr.rel .LBB1_4-.Ltmp4, $1  }
0x3e: {  	_ =	sdelay $0x3  }
.LBB1_6:
0x3f: {  	_ =	sfence.sel $0x180000  }
0x40: {  	s2 =	simm.s32 $0x1;
	[bflag:$0x0] =	sbarrier.arrive $0xFFFF  }
0x41: {  	s31 =	simm.s32 $0x2;
	[sflag:s2] =	ssyncpa.u1 $0x1  }
0x42: {  	[sflag:s31] =	ssyncpa.u1 $0x1  }
0x43: {  	p0 =	sne.s32 s0, $0x0;
	_ =	strace $0x9000004A  }
0x44: {  	s0 =	sadd.s32 @!p0 $0x100000, s1;
	[bflag:$0x2] =	sbarrier.arrive $0xFFFF  }
0x45: {  	[sflag:s0] =	ssyncadd.tile.s32 @!p0 $0x1;
	_ =	shalt  }
.Lfunc_end1:
_tile_overlayer_lowered:
.L_overlay_start_2:
0x46: {  	(tag) =	ssettag $0x2  }
0x47: {  	s0 =	rddreg [dreg:$0x0];
	s2 =	stileid.u32  }
0x48: {  	s1 =	rddreg [dreg:$0x1];
	p0 =	sne.s32 s2, $0x0  }
0x49: {  	s3 =	rddreg [dreg:$0x2];
	[bflag:$0x3] =	sbarrier.arrive $0xFFFF;
	s2 =	simm.s32 @!p0 $0x1C01  }
0x4a: {  	[timem:s3], [sflag:s2] =	dma.local @!p0 [hbm:s0], s1  }
0x4b: {  	s0 =	simm.s32 @!p0 $0x1  }
0x4c: {  	_ =	swait.ge @!p0 [sflag:s0], s1  }
0x4d: {  	s1 =	ssub.s32 @!p0 $0x0, s1;
	[sflag:s0] =	ssyncset.done @!p0 $0x0  }
0x4e: {  	[sflag:s0] =	ssyncadd.s32 @!p0 s1  }
0x4f: {  	[bflag:$0x3] =	sbarrier.arrive $0xFFFF  }
0x50: {  	_ =	shalt  }

</sc_bundles>
